<compile_context>
chip_gen: v7x
topology: tpu7x:2x2x1
jax: 0.10.2.dev20260603
libtpu: 0.0.44.dev20260713+nightly
codegen_flags: <defaults>
</compile_context>

<pallas_src>
import jax
import jax.numpy as jnp
from jax import lax
from jax.experimental import pallas as pl
from jax.experimental.pallas import tpu as pltpu
from jax.experimental.pallas import tpu_sc as plsc

D = 128
NC = 2
NS = 16
NW = NC * NS
CHUNKS = 2500
BLOCK = -(-CHUNKS // NW)


IRING = 4


def _gather_body(x_hbm, ei_hbm, out_hbm, ibufs, sbufs, dbufs, *sems):
    sem_s, sem_d = sems[0:2], sems[2:4]
    sem_w, sem_i = sems[4:6], sems[6:6 + IRING]
    wid = lax.axis_index("s") * NC + lax.axis_index("c")

    def fire_idx(c, k):
        pltpu.async_copy(ei_hbm.at[:, pl.ds(c * D, D)], ibufs.at[k], sem_i[k])

    def drain_idx(k):
        pltpu.make_async_copy(
            ei_hbm.at[:, pl.ds(0, D)], ibufs.at[k], sem_i[k]
        ).wait()

    def fire_gathers(k, p):
        pltpu.async_copy(x_hbm.at[ibufs.at[k].at[0]], sbufs.at[p], sem_s[p])
        pltpu.async_copy(x_hbm.at[ibufs.at[k].at[1]], dbufs.at[p], sem_d[p])

    def drain_writes(p):
        for col in (0, D):
            pltpu.make_async_copy(
                sbufs.at[p], out_hbm.at[pl.ds(0, D), pl.ds(col, D)], sem_w[p]
            ).wait()

    fire_idx(wid, 0)
    fire_idx(wid + NW, 1)
    drain_idx(0)
    fire_gathers(0, 0)

    @pl.loop(0, BLOCK + (-BLOCK % IRING), step=IRING)
    def _iter(j0):
        for q in range(IRING):
            j = j0 + q
            p = q % 2
            c = j * NW + wid

            @pl.when(c < CHUNKS)
            def _():
                e0 = c * D

                @pl.when(c + 2 * NW < CHUNKS)
                def _():
                    fire_idx(c + 2 * NW, (q + 2) % IRING)

                @pl.when(j >= 1)
                def _():
                    drain_writes(1 - p)

                @pl.when(c + NW < CHUNKS)
                def _():
                    drain_idx((q + 1) % IRING)
                    fire_gathers((q + 1) % IRING, 1 - p)

                pltpu.make_async_copy(
                    x_hbm.at[pl.ds(0, D)], sbufs.at[p], sem_s[p]
                ).wait()
                pltpu.make_async_copy(
                    x_hbm.at[pl.ds(0, D)], dbufs.at[p], sem_d[p]
                ).wait()
                pltpu.async_copy(
                    sbufs.at[p], out_hbm.at[pl.ds(e0, D), pl.ds(0, D)], sem_w[p]
                )
                pltpu.async_copy(
                    dbufs.at[p], out_hbm.at[pl.ds(e0, D), pl.ds(D, D)], sem_w[p]
                )

    last_j = (CHUNKS - 1 - wid) // NW
    lp = last_j % 2

    @pl.when(last_j >= 0)
    def _():
        for q in range(2):
            @pl.when(lp == q)
            def _():
                pltpu.make_async_copy(
                    sbufs.at[q], out_hbm.at[pl.ds(0, D), pl.ds(0, D)], sem_w[q]
                ).wait()
                pltpu.make_async_copy(
                    dbufs.at[q], out_hbm.at[pl.ds(0, D), pl.ds(D, D)], sem_w[q]
                ).wait()


@jax.jit
def kernel(x, edge_index):
    n_edges = edge_index.shape[1]
    mesh = plsc.VectorSubcoreMesh(
        core_axis_name="c", subcore_axis_name="s", num_cores=NC, num_subcores=NS
    )
    run = pl.kernel(
        _gather_body,
        out_type=jax.ShapeDtypeStruct((n_edges, 2 * D), jnp.float32),
        mesh=mesh,
        scratch_types=[
            pltpu.VMEM((IRING, 2, D), jnp.int32),
            pltpu.VMEM((2, D, D), jnp.float32),
            pltpu.VMEM((2, D, D), jnp.float32),
        ] + [pltpu.SemaphoreType.DMA] * (6 + IRING),
    )
    return run(x, edge_index)

# --- scband reference (transcript-rebuilt; emitter-appended) ---
"""Pipeline reference for scband-edge-node-concat-net-73237782331444 (READ-ONLY COPY).

The authoritative reference and input builder live on the scoring server;
editing this copy changes nothing except your own understanding.
"""

import jax, jax.numpy as jnp
import numpy as np

N_NODES = 10000
N_EDGES = 320000
D_FEAT = 128


def setup_inputs(seed: int = 0) -> dict:
    key = jax.random.key(seed)
    k1, k2 = jax.random.split(key)
    x = jax.random.normal(k1, (N_NODES, D_FEAT), dtype=jnp.float32)
    edge_index = jax.random.randint(k2, (2, N_EDGES), 0, N_NODES, dtype=jnp.int32)
    return {"x": x, "edge_index": edge_index}


def reference(x, edge_index):
    # src = x[edge_index[0]]; dst = x[edge_index[1]]; concat along feature dim
    src = jnp.take(x, edge_index[0], axis=0)
    dst = jnp.take(x, edge_index[1], axis=0)
    edge_concat = jnp.concatenate([src, dst], axis=-1)
    return edge_concat

if __name__ == "__main__":
    import jax
    _d = setup_inputs()
    print(jax.jit(kernel)(*tuple(_d.values())))

</pallas_src>

<mosaic_0001>
#map = affine_map<(d0, d1) -> (0, 0)>
module attributes {stable_mosaic.version = 14 : i64} {
  func.func @_gather_body(%arg0: i32, %arg1: i32, %arg2: memref<10000x128xf32, #tpu.memory_space<hbm>>, %arg3: memref<2x320000xi32, #tpu.memory_space<hbm>>, %arg4: memref<320000x256xf32, #tpu.memory_space<hbm>>, %arg5: memref<4x2x128xi32, #tpu.memory_space<vmem>>, %arg6: memref<2x128x128xf32, #tpu.memory_space<vmem>>, %arg7: memref<2x128x128xf32, #tpu.memory_space<vmem>>, %arg8: memref<!tpu.dma_semaphore, #tpu.memory_space<semaphore_mem>>, %arg9: memref<!tpu.dma_semaphore, #tpu.memory_space<semaphore_mem>>, %arg10: memref<!tpu.dma_semaphore, #tpu.memory_space<semaphore_mem>>, %arg11: memref<!tpu.dma_semaphore, #tpu.memory_space<semaphore_mem>>, %arg12: memref<!tpu.dma_semaphore, #tpu.memory_space<semaphore_mem>>, %arg13: memref<!tpu.dma_semaphore, #tpu.memory_space<semaphore_mem>>, %arg14: memref<!tpu.dma_semaphore, #tpu.memory_space<semaphore_mem>>, %arg15: memref<!tpu.dma_semaphore, #tpu.memory_space<semaphore_mem>>, %arg16: memref<!tpu.dma_semaphore, #tpu.memory_space<semaphore_mem>>, %arg17: memref<!tpu.dma_semaphore, #tpu.memory_space<semaphore_mem>>) attributes {dimension_semantics = [#tpu.dimension_semantics<core_parallel>, #tpu.dimension_semantics<subcore_parallel>], iteration_bounds = array<i64: 2, 16>, scalar_prefetch = 0 : i64, scratch_operands = 13 : i64, tpu.core_type = #tpu.core_type<sc_vector_subcore>, window_params = [{transform_indices = #map}, {transform_indices = #map}, {transform_indices = #map}]} {
    %mul3A = arith.constant 2 : i32
    %mul3A_0 = arith.muli %arg1, %mul3A : i32
    %add3A = arith.addi %mul3A_0, %arg0 : i32
    %mul3A_1 = arith.constant 128 : i32
    %mul3A_2 = arith.muli %add3A, %mul3A_1 : i32
    %dma_start3A = arith.constant 0 : i32
    %dma_start3A_3 = arith.constant 0 : i32
    %dma_start3A_4 = arith.constant 0 : i32
    %dma_start3A_5 = tpu.memref_slice %arg5[%dma_start3A, %dma_start3A_3, %dma_start3A_4] : memref<4x2x128xi32, #tpu.memory_space<vmem>> -> memref<1x2x128xi32, #tpu.memory_space<vmem>>
    %dma_start3A_6 = tpu.memref_squeeze %dma_start3A_5 : memref<1x2x128xi32, #tpu.memory_space<vmem>> -> memref<2x128xi32, #tpu.memory_space<vmem>>
    %dma_start3A_7 = arith.constant 0 : i32
    %dma_start3A_8 = tpu.memref_slice %arg3[%dma_start3A_7, %mul3A_2] : memref<2x320000xi32, #tpu.memory_space<hbm>> -> memref<2x128xi32, #tpu.memory_space<hbm>>
    %dma_start3A_9 = arith.constant 0 : i32
    %dma_start3A_10 = arith.constant 0 : i32
    %dma_start3A_11 = tpu.memref_slice %arg5[%dma_start3A, %dma_start3A_9, %dma_start3A_10] : memref<4x2x128xi32, #tpu.memory_space<vmem>> -> memref<1x2x128xi32, #tpu.memory_space<vmem>>
    %dma_start3A_12 = tpu.memref_squeeze %dma_start3A_11 : memref<1x2x128xi32, #tpu.memory_space<vmem>> -> memref<2x128xi32, #tpu.memory_space<vmem>>
    %dma_start3A_13 = arith.constant 0 : i32
    %dma_start3A_14 = tpu.memref_slice %arg3[%dma_start3A_13, %mul3A_2] : memref<2x320000xi32, #tpu.memory_space<hbm>> -> memref<2x128xi32, #tpu.memory_space<hbm>>
    tpu.enqueue_dma source(%dma_start3A_14 : memref<2x128xi32, #tpu.memory_space<hbm>>) target(%dma_start3A_12 : memref<2x128xi32, #tpu.memory_space<vmem>>) target_semaphore(%arg14 : memref<!tpu.dma_semaphore, #tpu.memory_space<semaphore_mem>>)
    %add3A_15 = arith.constant 32 : i32
    %add3A_16 = arith.addi %add3A, %add3A_15 : i32
    %mul3A_17 = arith.constant 128 : i32
    %mul3A_18 = arith.muli %add3A_16, %mul3A_17 : i32
    %dma_start3A_19 = arith.constant 1 : i32
    %dma_start3A_20 = arith.constant 0 : i32
    %dma_start3A_21 = arith.constant 0 : i32
    %dma_start3A_22 = tpu.memref_slice %arg5[%dma_start3A_19, %dma_start3A_20, %dma_start3A_21] : memref<4x2x128xi32, #tpu.memory_space<vmem>> -> memref<1x2x128xi32, #tpu.memory_space<vmem>>
    %dma_start3A_23 = tpu.memref_squeeze %dma_start3A_22 : memref<1x2x128xi32, #tpu.memory_space<vmem>> -> memref<2x128xi32, #tpu.memory_space<vmem>>
    %dma_start3A_24 = arith.constant 0 : i32
    %dma_start3A_25 = tpu.memref_slice %arg3[%dma_start3A_24, %mul3A_18] : memref<2x320000xi32, #tpu.memory_space<hbm>> -> memref<2x128xi32, #tpu.memory_space<hbm>>
    %dma_start3A_26 = arith.constant 0 : i32
    %dma_start3A_27 = arith.constant 0 : i32
    %dma_start3A_28 = tpu.memref_slice %arg5[%dma_start3A_19, %dma_start3A_26, %dma_start3A_27] : memref<4x2x128xi32, #tpu.memory_space<vmem>> -> memref<1x2x128xi32, #tpu.memory_space<vmem>>
    %dma_start3A_29 = tpu.memref_squeeze %dma_start3A_28 : memref<1x2x128xi32, #tpu.memory_space<vmem>> -> memref<2x128xi32, #tpu.memory_space<vmem>>
    %dma_start3A_30 = arith.constant 0 : i32
    %dma_start3A_31 = tpu.memref_slice %arg3[%dma_start3A_30, %mul3A_18] : memref<2x320000xi32, #tpu.memory_space<hbm>> -> memref<2x128xi32, #tpu.memory_space<hbm>>
    tpu.enqueue_dma source(%dma_start3A_31 : memref<2x128xi32, #tpu.memory_space<hbm>>) target(%dma_start3A_29 : memref<2x128xi32, #tpu.memory_space<vmem>>) target_semaphore(%arg15 : memref<!tpu.dma_semaphore, #tpu.memory_space<semaphore_mem>>)
    %dma_wait3A = arith.constant 0 : i32
    %dma_wait3A_32 = arith.constant 0 : i32
    %dma_wait3A_33 = arith.constant 0 : i32
    %dma_wait3A_34 = tpu.memref_slice %arg5[%dma_wait3A, %dma_wait3A_32, %dma_wait3A_33] : memref<4x2x128xi32, #tpu.memory_space<vmem>> -> memref<1x2x128xi32, #tpu.memory_space<vmem>>
    %dma_wait3A_35 = tpu.memref_squeeze %dma_wait3A_34 : memref<1x2x128xi32, #tpu.memory_space<vmem>> -> memref<2x128xi32, #tpu.memory_space<vmem>>
    %dma_wait3A_36 = arith.constant 0 : i32
    %dma_wait3A_37 = arith.constant 0 : i32
    %dma_wait3A_38 = tpu.memref_slice %arg3[%dma_wait3A_36, %dma_wait3A_37] : memref<2x320000xi32, #tpu.memory_space<hbm>> -> memref<2x128xi32, #tpu.memory_space<hbm>>
    %dma_wait3A_39 = arith.constant 0 : i32
    %dma_wait3A_40 = arith.constant 0 : i32
    %dma_wait3A_41 = tpu.memref_slice %arg5[%dma_wait3A, %dma_wait3A_39, %dma_wait3A_40] : memref<4x2x128xi32, #tpu.memory_space<vmem>> -> memref<1x2x128xi32, #tpu.memory_space<vmem>>
    %dma_wait3A_42 = tpu.memref_squeeze %dma_wait3A_41 : memref<1x2x128xi32, #tpu.memory_space<vmem>> -> memref<2x128xi32, #tpu.memory_space<vmem>>
    %dma_wait3A_43 = arith.constant 0 : i32
    %dma_wait3A_44 = arith.constant 0 : i32
    %dma_wait3A_45 = tpu.memref_slice %arg3[%dma_wait3A_43, %dma_wait3A_44] : memref<2x320000xi32, #tpu.memory_space<hbm>> -> memref<2x128xi32, #tpu.memory_space<hbm>>
    tpu.wait_dma2 semaphore(%arg14 : memref<!tpu.dma_semaphore, #tpu.memory_space<semaphore_mem>>) src(%dma_wait3A_45 : memref<2x128xi32, #tpu.memory_space<hbm>>) dst(%dma_wait3A_42 : memref<2x128xi32, #tpu.memory_space<vmem>>)
    %dma_start3A_46 = arith.constant 0 : i32
    %dma_start3A_47 = arith.constant 0 : i32
    %dma_start3A_48 = arith.constant 0 : i32
    %dma_start3A_49 = arith.constant 0 : i32
    %dma_start3A_50 = arith.constant 0 : i32
    %dma_start3A_51 = tpu.memref_slice %arg6[%dma_start3A_48, %dma_start3A_49, %dma_start3A_50] : memref<2x128x128xf32, #tpu.memory_space<vmem>> -> memref<1x128x128xf32, #tpu.memory_space<vmem>>
    %dma_start3A_52 = tpu.memref_squeeze %dma_start3A_51 : memref<1x128x128xf32, #tpu.memory_space<vmem>> -> memref<128x128xf32, #tpu.memory_space<vmem>>
    %dma_start3A_53 = arith.constant 0 : i32
    %dma_start3A_54 = arith.constant 0 : i32
    %dma_start3A_55 = tpu.memref_slice %arg5[%dma_start3A_46, %dma_start3A_53, %dma_start3A_54] : memref<4x2x128xi32, #tpu.memory_space<vmem>> -> memref<1x2x128xi32, #tpu.memory_space<vmem>>
    %dma_start3A_56 = tpu.memref_squeeze %dma_start3A_55 : memref<1x2x128xi32, #tpu.memory_space<vmem>> -> memref<2x128xi32, #tpu.memory_space<vmem>>
    %dma_start3A_57 = arith.constant 0 : i32
    %dma_start3A_58 = tpu.memref_slice %dma_start3A_56[%dma_start3A_47, %dma_start3A_57] : memref<2x128xi32, #tpu.memory_space<vmem>> -> memref<1x128xi32, #tpu.memory_space<vmem>>
    %dma_start3A_59 = tpu.memref_squeeze %dma_start3A_58 : memref<1x128xi32, #tpu.memory_space<vmem>> -> memref<128xi32, #tpu.memory_space<vmem>>
    %dma_start3A_60 = arith.constant 0 : i32
    %dma_start3A_61 = arith.constant 0 : i32
    %dma_start3A_62 = tpu.memref_slice %arg2[%dma_start3A_60, %dma_start3A_61] : memref<10000x128xf32, #tpu.memory_space<hbm>> -> memref<10000x128xf32, #tpu.memory_space<hbm>>
    tpu.enqueue_indirect_dma source(%dma_start3A_62 : memref<10000x128xf32, #tpu.memory_space<hbm>>) target(%dma_start3A_52 : memref<128x128xf32, #tpu.memory_space<vmem>>) offsets(%dma_start3A_59 : memref<128xi32, #tpu.memory_space<vmem>>) semaphore(%arg8 : memref<!tpu.dma_semaphore, #tpu.memory_space<semaphore_mem>>)
    %dma_start3A_63 = arith.constant 0 : i32
    %dma_start3A_64 = arith.constant 1 : i32
    %dma_start3A_65 = arith.constant 0 : i32
    %dma_start3A_66 = arith.constant 0 : i32
    %dma_start3A_67 = arith.constant 0 : i32
    %dma_start3A_68 = tpu.memref_slice %arg7[%dma_start3A_65, %dma_start3A_66, %dma_start3A_67] : memref<2x128x128xf32, #tpu.memory_space<vmem>> -> memref<1x128x128xf32, #tpu.memory_space<vmem>>
    %dma_start3A_69 = tpu.memref_squeeze %dma_start3A_68 : memref<1x128x128xf32, #tpu.memory_space<vmem>> -> memref<128x128xf32, #tpu.memory_space<vmem>>
    %dma_start3A_70 = arith.constant 0 : i32
    %dma_start3A_71 = arith.constant 0 : i32
    %dma_start3A_72 = tpu.memref_slice %arg5[%dma_start3A_63, %dma_start3A_70, %dma_start3A_71] : memref<4x2x128xi32, #tpu.memory_space<vmem>> -> memref<1x2x128xi32, #tpu.memory_space<vmem>>
    %dma_start3A_73 = tpu.memref_squeeze %dma_start3A_72 : memref<1x2x128xi32, #tpu.memory_space<vmem>> -> memref<2x128xi32, #tpu.memory_space<vmem>>
    %dma_start3A_74 = arith.constant 0 : i32
    %dma_start3A_75 = tpu.memref_slice %dma_start3A_73[%dma_start3A_64, %dma_start3A_74] : memref<2x128xi32, #tpu.memory_space<vmem>> -> memref<1x128xi32, #tpu.memory_space<vmem>>
    %dma_start3A_76 = tpu.memref_squeeze %dma_start3A_75 : memref<1x128xi32, #tpu.memory_space<vmem>> -> memref<128xi32, #tpu.memory_space<vmem>>
    %dma_start3A_77 = arith.constant 0 : i32
    %dma_start3A_78 = arith.constant 0 : i32
    %dma_start3A_79 = tpu.memref_slice %arg2[%dma_start3A_77, %dma_start3A_78] : memref<10000x128xf32, #tpu.memory_space<hbm>> -> memref<10000x128xf32, #tpu.memory_space<hbm>>
    tpu.enqueue_indirect_dma source(%dma_start3A_79 : memref<10000x128xf32, #tpu.memory_space<hbm>>) target(%dma_start3A_69 : memref<128x128xf32, #tpu.memory_space<vmem>>) offsets(%dma_start3A_76 : memref<128xi32, #tpu.memory_space<vmem>>) semaphore(%arg10 : memref<!tpu.dma_semaphore, #tpu.memory_space<semaphore_mem>>)
    %scan3A = arith.constant 0 : i32
    %scan3A_80 = arith.constant 20 : i32
    %scan3A_81 = arith.addi %scan3A, %scan3A_80 : i32
    %scan3A_82 = arith.constant 1 : i32
    scf.for %scan3A_118 = %scan3A to %scan3A_81 step %scan3A_82  : i32 {
      %mul3A_119 = arith.constant 4 : i32
      %mul3A_120 = arith.muli %scan3A_118, %mul3A_119 : i32
      %add3A_121 = arith.constant 0 : i32
      %add3A_122 = arith.addi %add3A_121, %mul3A_120 : i32
      %add3A_123 = arith.constant 0 : i32
      %add3A_124 = arith.addi %add3A_122, %add3A_123 : i32
      %mul3A_125 = arith.constant 32 : i32
      %mul3A_126 = arith.muli %add3A_124, %mul3A_125 : i32
      %add3A_127 = arith.addi %mul3A_126, %add3A : i32
      %lt3A_128 = arith.constant 2500 : i32
      %lt3A_129 = arith.cmpi slt, %add3A_127, %lt3A_128 : i32
      %convert_element_type3A_130 = arith.extui %lt3A_129 : i1 to i32
      %cond3A_131 = arith.constant 0 : i32
      %cond3A_132 = arith.cmpi ne, %convert_element_type3A_130, %cond3A_131 : i32
      scf.if %cond3A_132 {
        %mul3A_163 = arith.constant 128 : i32
        %mul3A_164 = arith.muli %add3A_127, %mul3A_163 : i32
        %add3A_165 = arith.constant 64 : i32
        %add3A_166 = arith.addi %add3A_127, %add3A_165 : i32
        %lt3A_167 = arith.constant 2500 : i32
        %lt3A_168 = arith.cmpi slt, %add3A_166, %lt3A_167 : i32
        %convert_element_type3A_169 = arith.extui %lt3A_168 : i1 to i32
        %cond3A_170 = arith.constant 0 : i32
        %cond3A_171 = arith.cmpi ne, %convert_element_type3A_169, %cond3A_170 : i32
        scf.if %cond3A_171 {
          %add3A_240 = arith.constant 64 : i32
          %add3A_241 = arith.addi %add3A_127, %add3A_240 : i32
          %mul3A_242 = arith.constant 128 : i32
          %mul3A_243 = arith.muli %add3A_241, %mul3A_242 : i32
          %dma_start3A_244 = arith.constant 2 : i32
          %dma_start3A_245 = arith.constant 0 : i32
          %dma_start3A_246 = arith.constant 0 : i32
          %dma_start3A_247 = tpu.memref_slice %arg5[%dma_start3A_244, %dma_start3A_245, %dma_start3A_246] : memref<4x2x128xi32, #tpu.memory_space<vmem>> -> memref<1x2x128xi32, #tpu.memory_space<vmem>>
          %dma_start3A_248 = tpu.memref_squeeze %dma_start3A_247 : memref<1x2x128xi32, #tpu.memory_space<vmem>> -> memref<2x128xi32, #tpu.memory_space<vmem>>
          %dma_start3A_249 = arith.constant 0 : i32
          %dma_start3A_250 = tpu.memref_slice %arg3[%dma_start3A_249, %mul3A_243] : memref<2x320000xi32, #tpu.memory_space<hbm>> -> memref<2x128xi32, #tpu.memory_space<hbm>>
          %dma_start3A_251 = arith.constant 0 : i32
          %dma_start3A_252 = arith.constant 0 : i32
          %dma_start3A_253 = tpu.memref_slice %arg5[%dma_start3A_244, %dma_start3A_251, %dma_start3A_252] : memref<4x2x128xi32, #tpu.memory_space<vmem>> -> memref<1x2x128xi32, #tpu.memory_space<vmem>>
          %dma_start3A_254 = tpu.memref_squeeze %dma_start3A_253 : memref<1x2x128xi32, #tpu.memory_space<vmem>> -> memref<2x128xi32, #tpu.memory_space<vmem>>
          %dma_start3A_255 = arith.constant 0 : i32
          %dma_start3A_256 = tpu.memref_slice %arg3[%dma_start3A_255, %mul3A_243] : memref<2x320000xi32, #tpu.memory_space<hbm>> -> memref<2x128xi32, #tpu.memory_space<hbm>>
          tpu.enqueue_dma source(%dma_start3A_256 : memref<2x128xi32, #tpu.memory_space<hbm>>) target(%dma_start3A_254 : memref<2x128xi32, #tpu.memory_space<vmem>>) target_semaphore(%arg16 : memref<!tpu.dma_semaphore, #tpu.memory_space<semaphore_mem>>)
        } else {
        }
        %ge3A_172 = arith.constant 1 : i32
        %ge3A_173 = arith.cmpi sge, %add3A_124, %ge3A_172 : i32
        %convert_element_type3A_174 = arith.extui %ge3A_173 : i1 to i32
        %cond3A_175 = arith.constant 0 : i32
        %cond3A_176 = arith.cmpi ne, %convert_element_type3A_174, %cond3A_175 : i32
        scf.if %cond3A_176 {
          %dma_wait3A_240 = arith.constant 1 : i32
          %dma_wait3A_241 = arith.constant 0 : i32
          %dma_wait3A_242 = arith.constant 0 : i32
          %dma_wait3A_243 = tpu.memref_slice %arg6[%dma_wait3A_240, %dma_wait3A_241, %dma_wait3A_242] : memref<2x128x128xf32, #tpu.memory_space<vmem>> -> memref<1x128x128xf32, #tpu.memory_space<vmem>>
          %dma_wait3A_244 = tpu.memref_squeeze %dma_wait3A_243 : memref<1x128x128xf32, #tpu.memory_space<vmem>> -> memref<128x128xf32, #tpu.memory_space<vmem>>
          %dma_wait3A_245 = arith.constant 0 : i32
          %dma_wait3A_246 = arith.constant 0 : i32
          %dma_wait3A_247 = tpu.memref_slice %arg4[%dma_wait3A_245, %dma_wait3A_246] : memref<320000x256xf32, #tpu.memory_space<hbm>> -> memref<128x128xf32, #tpu.memory_space<hbm>>
          %dma_wait3A_248 = arith.constant 0 : i32
          %dma_wait3A_249 = arith.constant 0 : i32
          %dma_wait3A_250 = tpu.memref_slice %arg4[%dma_wait3A_248, %dma_wait3A_249] : memref<320000x256xf32, #tpu.memory_space<hbm>> -> memref<128x128xf32, #tpu.memory_space<hbm>>
          %dma_wait3A_251 = arith.constant 0 : i32
          %dma_wait3A_252 = arith.constant 0 : i32
          %dma_wait3A_253 = tpu.memref_slice %arg6[%dma_wait3A_240, %dma_wait3A_251, %dma_wait3A_252] : memref<2x128x128xf32, #tpu.memory_space<vmem>> -> memref<1x128x128xf32, #tpu.memory_space<vmem>>
          %dma_wait3A_254 = tpu.memref_squeeze %dma_wait3A_253 : memref<1x128x128xf32, #tpu.memory_space<vmem>> -> memref<128x128xf32, #tpu.memory_space<vmem>>
          tpu.wait_dma2 semaphore(%arg13 : memref<!tpu.dma_semaphore, #tpu.memory_space<semaphore_mem>>) src(%dma_wait3A_254 : memref<128x128xf32, #tpu.memory_space<vmem>>) dst(%dma_wait3A_250 : memref<128x128xf32, #tpu.memory_space<hbm>>)
          %dma_wait3A_255 = arith.constant 1 : i32
          %dma_wait3A_256 = arith.constant 0 : i32
          %dma_wait3A_257 = arith.constant 0 : i32
          %dma_wait3A_258 = tpu.memref_slice %arg6[%dma_wait3A_255, %dma_wait3A_256, %dma_wait3A_257] : memref<2x128x128xf32, #tpu.memory_space<vmem>> -> memref<1x128x128xf32, #tpu.memory_space<vmem>>
          %dma_wait3A_259 = tpu.memref_squeeze %dma_wait3A_258 : memref<1x128x128xf32, #tpu.memory_space<vmem>> -> memref<128x128xf32, #tpu.memory_space<vmem>>
          %dma_wait3A_260 = arith.constant 0 : i32
          %dma_wait3A_261 = arith.constant 128 : i32
          %dma_wait3A_262 = tpu.memref_slice %arg4[%dma_wait3A_260, %dma_wait3A_261] : memref<320000x256xf32, #tpu.memory_space<hbm>> -> memref<128x128xf32, #tpu.memory_space<hbm>>
          %dma_wait3A_263 = arith.constant 0 : i32
          %dma_wait3A_264 = arith.constant 128 : i32
          %dma_wait3A_265 = tpu.memref_slice %arg4[%dma_wait3A_263, %dma_wait3A_264] : memref<320000x256xf32, #tpu.memory_space<hbm>> -> memref<128x128xf32, #tpu.memory_space<hbm>>
          %dma_wait3A_266 = arith.constant 0 : i32
          %dma_wait3A_267 = arith.constant 0 : i32
          %dma_wait3A_268 = tpu.memref_slice %arg6[%dma_wait3A_255, %dma_wait3A_266, %dma_wait3A_267] : memref<2x128x128xf32, #tpu.memory_space<vmem>> -> memref<1x128x128xf32, #tpu.memory_space<vmem>>
          %dma_wait3A_269 = tpu.memref_squeeze %dma_wait3A_268 : memref<1x128x128xf32, #tpu.memory_space<vmem>> -> memref<128x128xf32, #tpu.memory_space<vmem>>
          tpu.wait_dma2 semaphore(%arg13 : memref<!tpu.dma_semaphore, #tpu.memory_space<semaphore_mem>>) src(%dma_wait3A_269 : memref<128x128xf32, #tpu.memory_space<vmem>>) dst(%dma_wait3A_265 : memref<128x128xf32, #tpu.memory_space<hbm>>)
        } else {
        }
        %add3A_177 = arith.constant 32 : i32
        %add3A_178 = arith.addi %add3A_127, %add3A_177 : i32
        %lt3A_179 = arith.constant 2500 : i32
        %lt3A_180 = arith.cmpi slt, %add3A_178, %lt3A_179 : i32
        %convert_element_type3A_181 = arith.extui %lt3A_180 : i1 to i32
        %cond3A_182 = arith.constant 0 : i32
        %cond3A_183 = arith.cmpi ne, %convert_element_type3A_181, %cond3A_182 : i32
        scf.if %cond3A_183 {
          %dma_wait3A_240 = arith.constant 1 : i32
          %dma_wait3A_241 = arith.constant 0 : i32
          %dma_wait3A_242 = arith.constant 0 : i32
          %dma_wait3A_243 = tpu.memref_slice %arg5[%dma_wait3A_240, %dma_wait3A_241, %dma_wait3A_242] : memref<4x2x128xi32, #tpu.memory_space<vmem>> -> memref<1x2x128xi32, #tpu.memory_space<vmem>>
          %dma_wait3A_244 = tpu.memref_squeeze %dma_wait3A_243 : memref<1x2x128xi32, #tpu.memory_space<vmem>> -> memref<2x128xi32, #tpu.memory_space<vmem>>
          %dma_wait3A_245 = arith.constant 0 : i32
          %dma_wait3A_246 = arith.constant 0 : i32
          %dma_wait3A_247 = tpu.memref_slice %arg3[%dma_wait3A_245, %dma_wait3A_246] : memref<2x320000xi32, #tpu.memory_space<hbm>> -> memref<2x128xi32, #tpu.memory_space<hbm>>
          %dma_wait3A_248 = arith.constant 0 : i32
          %dma_wait3A_249 = arith.constant 0 : i32
          %dma_wait3A_250 = tpu.memref_slice %arg5[%dma_wait3A_240, %dma_wait3A_248, %dma_wait3A_249] : memref<4x2x128xi32, #tpu.memory_space<vmem>> -> memref<1x2x128xi32, #tpu.memory_space<vmem>>
          %dma_wait3A_251 = tpu.memref_squeeze %dma_wait3A_250 : memref<1x2x128xi32, #tpu.memory_space<vmem>> -> memref<2x128xi32, #tpu.memory_space<vmem>>
          %dma_wait3A_252 = arith.constant 0 : i32
          %dma_wait3A_253 = arith.constant 0 : i32
          %dma_wait3A_254 = tpu.memref_slice %arg3[%dma_wait3A_252, %dma_wait3A_253] : memref<2x320000xi32, #tpu.memory_space<hbm>> -> memref<2x128xi32, #tpu.memory_space<hbm>>
          tpu.wait_dma2 semaphore(%arg15 : memref<!tpu.dma_semaphore, #tpu.memory_space<semaphore_mem>>) src(%dma_wait3A_254 : memref<2x128xi32, #tpu.memory_space<hbm>>) dst(%dma_wait3A_251 : memref<2x128xi32, #tpu.memory_space<vmem>>)
          %dma_start3A_255 = arith.constant 1 : i32
          %dma_start3A_256 = arith.constant 0 : i32
          %dma_start3A_257 = arith.constant 1 : i32
          %dma_start3A_258 = arith.constant 0 : i32
          %dma_start3A_259 = arith.constant 0 : i32
          %dma_start3A_260 = tpu.memref_slice %arg6[%dma_start3A_257, %dma_start3A_258, %dma_start3A_259] : memref<2x128x128xf32, #tpu.memory_space<vmem>> -> memref<1x128x128xf32, #tpu.memory_space<vmem>>
          %dma_start3A_261 = tpu.memref_squeeze %dma_start3A_260 : memref<1x128x128xf32, #tpu.memory_space<vmem>> -> memref<128x128xf32, #tpu.memory_space<vmem>>
          %dma_start3A_262 = arith.constant 0 : i32
          %dma_start3A_263 = arith.constant 0 : i32
          %dma_start3A_264 = tpu.memref_slice %arg5[%dma_start3A_255, %dma_start3A_262, %dma_start3A_263] : memref<4x2x128xi32, #tpu.memory_space<vmem>> -> memref<1x2x128xi32, #tpu.memory_space<vmem>>
          %dma_start3A_265 = tpu.memref_squeeze %dma_start3A_264 : memref<1x2x128xi32, #tpu.memory_space<vmem>> -> memref<2x128xi32, #tpu.memory_space<vmem>>
          %dma_start3A_266 = arith.constant 0 : i32
          %dma_start3A_267 = tpu.memref_slice %dma_start3A_265[%dma_start3A_256, %dma_start3A_266] : memref<2x128xi32, #tpu.memory_space<vmem>> -> memref<1x128xi32, #tpu.memory_space<vmem>>
          %dma_start3A_268 = tpu.memref_squeeze %dma_start3A_267 : memref<1x128xi32, #tpu.memory_space<vmem>> -> memref<128xi32, #tpu.memory_space<vmem>>
          %dma_start3A_269 = arith.constant 0 : i32
          %dma_start3A_270 = arith.constant 0 : i32
          %dma_start3A_271 = tpu.memref_slice %arg2[%dma_start3A_269, %dma_start3A_270] : memref<10000x128xf32, #tpu.memory_space<hbm>> -> memref<10000x128xf32, #tpu.memory_space<hbm>>
          tpu.enqueue_indirect_dma source(%dma_start3A_271 : memref<10000x128xf32, #tpu.memory_space<hbm>>) target(%dma_start3A_261 : memref<128x128xf32, #tpu.memory_space<vmem>>) offsets(%dma_start3A_268 : memref<128xi32, #tpu.memory_space<vmem>>) semaphore(%arg9 : memref<!tpu.dma_semaphore, #tpu.memory_space<semaphore_mem>>)
          %dma_start3A_272 = arith.constant 1 : i32
          %dma_start3A_273 = arith.constant 1 : i32
          %dma_start3A_274 = arith.constant 1 : i32
          %dma_start3A_275 = arith.constant 0 : i32
          %dma_start3A_276 = arith.constant 0 : i32
          %dma_start3A_277 = tpu.memref_slice %arg7[%dma_start3A_274, %dma_start3A_275, %dma_start3A_276] : memref<2x128x128xf32, #tpu.memory_space<vmem>> -> memref<1x128x128xf32, #tpu.memory_space<vmem>>
          %dma_start3A_278 = tpu.memref_squeeze %dma_start3A_277 : memref<1x128x128xf32, #tpu.memory_space<vmem>> -> memref<128x128xf32, #tpu.memory_space<vmem>>
          %dma_start3A_279 = arith.constant 0 : i32
          %dma_start3A_280 = arith.constant 0 : i32
          %dma_start3A_281 = tpu.memref_slice %arg5[%dma_start3A_272, %dma_start3A_279, %dma_start3A_280] : memref<4x2x128xi32, #tpu.memory_space<vmem>> -> memref<1x2x128xi32, #tpu.memory_space<vmem>>
          %dma_start3A_282 = tpu.memref_squeeze %dma_start3A_281 : memref<1x2x128xi32, #tpu.memory_space<vmem>> -> memref<2x128xi32, #tpu.memory_space<vmem>>
          %dma_start3A_283 = arith.constant 0 : i32
          %dma_start3A_284 = tpu.memref_slice %dma_start3A_282[%dma_start3A_273, %dma_start3A_283] : memref<2x128xi32, #tpu.memory_space<vmem>> -> memref<1x128xi32, #tpu.memory_space<vmem>>
          %dma_start3A_285 = tpu.memref_squeeze %dma_start3A_284 : memref<1x128xi32, #tpu.memory_space<vmem>> -> memref<128xi32, #tpu.memory_space<vmem>>
          %dma_start3A_286 = arith.constant 0 : i32
          %dma_start3A_287 = arith.constant 0 : i32
          %dma_start3A_288 = tpu.memref_slice %arg2[%dma_start3A_286, %dma_start3A_287] : memref<10000x128xf32, #tpu.memory_space<hbm>> -> memref<10000x128xf32, #tpu.memory_space<hbm>>
          tpu.enqueue_indirect_dma source(%dma_start3A_288 : memref<10000x128xf32, #tpu.memory_space<hbm>>) target(%dma_start3A_278 : memref<128x128xf32, #tpu.memory_space<vmem>>) offsets(%dma_start3A_285 : memref<128xi32, #tpu.memory_space<vmem>>) semaphore(%arg11 : memref<!tpu.dma_semaphore, #tpu.memory_space<semaphore_mem>>)
        } else {
        }
        %dma_wait3A_184 = arith.constant 0 : i32
        %dma_wait3A_185 = arith.constant 0 : i32
        %dma_wait3A_186 = arith.constant 0 : i32
        %dma_wait3A_187 = tpu.memref_slice %arg6[%dma_wait3A_184, %dma_wait3A_185, %dma_wait3A_186] : memref<2x128x128xf32, #tpu.memory_space<vmem>> -> memref<1x128x128xf32, #tpu.memory_space<vmem>>
        %dma_wait3A_188 = tpu.memref_squeeze %dma_wait3A_187 : memref<1x128x128xf32, #tpu.memory_space<vmem>> -> memref<128x128xf32, #tpu.memory_space<vmem>>
        %dma_wait3A_189 = arith.constant 0 : i32
        %dma_wait3A_190 = arith.constant 0 : i32
        %dma_wait3A_191 = tpu.memref_slice %arg2[%dma_wait3A_189, %dma_wait3A_190] : memref<10000x128xf32, #tpu.memory_space<hbm>> -> memref<128x128xf32, #tpu.memory_space<hbm>>
        %dma_wait3A_192 = arith.constant 0 : i32
        %dma_wait3A_193 = arith.constant 0 : i32
        %dma_wait3A_194 = tpu.memref_slice %arg6[%dma_wait3A_184, %dma_wait3A_192, %dma_wait3A_193] : memref<2x128x128xf32, #tpu.memory_space<vmem>> -> memref<1x128x128xf32, #tpu.memory_space<vmem>>
        %dma_wait3A_195 = tpu.memref_squeeze %dma_wait3A_194 : memref<1x128x128xf32, #tpu.memory_space<vmem>> -> memref<128x128xf32, #tpu.memory_space<vmem>>
        %dma_wait3A_196 = arith.constant 0 : i32
        %dma_wait3A_197 = arith.constant 0 : i32
        %dma_wait3A_198 = tpu.memref_slice %arg2[%dma_wait3A_196, %dma_wait3A_197] : memref<10000x128xf32, #tpu.memory_space<hbm>> -> memref<128x128xf32, #tpu.memory_space<hbm>>
        tpu.wait_dma2 semaphore(%arg8 : memref<!tpu.dma_semaphore, #tpu.memory_space<semaphore_mem>>) src(%dma_wait3A_198 : memref<128x128xf32, #tpu.memory_space<hbm>>) dst(%dma_wait3A_195 : memref<128x128xf32, #tpu.memory_space<vmem>>)
        %dma_wait3A_199 = arith.constant 0 : i32
        %dma_wait3A_200 = arith.constant 0 : i32
        %dma_wait3A_201 = arith.constant 0 : i32
        %dma_wait3A_202 = tpu.memref_slice %arg7[%dma_wait3A_199, %dma_wait3A_200, %dma_wait3A_201] : memref<2x128x128xf32, #tpu.memory_space<vmem>> -> memref<1x128x128xf32, #tpu.memory_space<vmem>>
        %dma_wait3A_203 = tpu.memref_squeeze %dma_wait3A_202 : memref<1x128x128xf32, #tpu.memory_space<vmem>> -> memref<128x128xf32, #tpu.memory_space<vmem>>
        %dma_wait3A_204 = arith.constant 0 : i32
        %dma_wait3A_205 = arith.constant 0 : i32
        %dma_wait3A_206 = tpu.memref_slice %arg2[%dma_wait3A_204, %dma_wait3A_205] : memref<10000x128xf32, #tpu.memory_space<hbm>> -> memref<128x128xf32, #tpu.memory_space<hbm>>
        %dma_wait3A_207 = arith.constant 0 : i32
        %dma_wait3A_208 = arith.constant 0 : i32
        %dma_wait3A_209 = tpu.memref_slice %arg7[%dma_wait3A_199, %dma_wait3A_207, %dma_wait3A_208] : memref<2x128x128xf32, #tpu.memory_space<vmem>> -> memref<1x128x128xf32, #tpu.memory_space<vmem>>
        %dma_wait3A_210 = tpu.memref_squeeze %dma_wait3A_209 : memref<1x128x128xf32, #tpu.memory_space<vmem>> -> memref<128x128xf32, #tpu.memory_space<vmem>>
        %dma_wait3A_211 = arith.constant 0 : i32
        %dma_wait3A_212 = arith.constant 0 : i32
        %dma_wait3A_213 = tpu.memref_slice %arg2[%dma_wait3A_211, %dma_wait3A_212] : memref<10000x128xf32, #tpu.memory_space<hbm>> -> memref<128x128xf32, #tpu.memory_space<hbm>>
        tpu.wait_dma2 semaphore(%arg10 : memref<!tpu.dma_semaphore, #tpu.memory_space<semaphore_mem>>) src(%dma_wait3A_213 : memref<128x128xf32, #tpu.memory_space<hbm>>) dst(%dma_wait3A_210 : memref<128x128xf32, #tpu.memory_space<vmem>>)
        %dma_start3A_214 = arith.constant 0 : i32
        %dma_start3A_215 = arith.constant 0 : i32
        %dma_start3A_216 = arith.constant 0 : i32
        %dma_start3A_217 = tpu.memref_slice %arg6[%dma_start3A_214, %dma_start3A_215, %dma_start3A_216] : memref<2x128x128xf32, #tpu.memory_space<vmem>> -> memref<1x128x128xf32, #tpu.memory_space<vmem>>
        %dma_start3A_218 = tpu.memref_squeeze %dma_start3A_217 : memref<1x128x128xf32, #tpu.memory_space<vmem>> -> memref<128x128xf32, #tpu.memory_space<vmem>>
        %dma_start3A_219 = arith.constant 0 : i32
        %dma_start3A_220 = tpu.memref_slice %arg4[%mul3A_164, %dma_start3A_219] : memref<320000x256xf32, #tpu.memory_space<hbm>> -> memref<128x128xf32, #tpu.memory_space<hbm>>
        %dma_start3A_221 = arith.constant 0 : i32
        %dma_start3A_222 = tpu.memref_slice %arg4[%mul3A_164, %dma_start3A_221] : memref<320000x256xf32, #tpu.memory_space<hbm>> -> memref<128x128xf32, #tpu.memory_space<hbm>>
        %dma_start3A_223 = arith.constant 0 : i32
        %dma_start3A_224 = arith.constant 0 : i32
        %dma_start3A_225 = tpu.memref_slice %arg6[%dma_start3A_214, %dma_start3A_223, %dma_start3A_224] : memref<2x128x128xf32, #tpu.memory_space<vmem>> -> memref<1x128x128xf32, #tpu.memory_space<vmem>>
        %dma_start3A_226 = tpu.memref_squeeze %dma_start3A_225 : memref<1x128x128xf32, #tpu.memory_space<vmem>> -> memref<128x128xf32, #tpu.memory_space<vmem>>
        tpu.enqueue_dma source(%dma_start3A_226 : memref<128x128xf32, #tpu.memory_space<vmem>>) target(%dma_start3A_222 : memref<128x128xf32, #tpu.memory_space<hbm>>) target_semaphore(%arg12 : memref<!tpu.dma_semaphore, #tpu.memory_space<semaphore_mem>>)
        %dma_start3A_227 = arith.constant 0 : i32
        %dma_start3A_228 = arith.constant 0 : i32
        %dma_start3A_229 = arith.constant 0 : i32
        %dma_start3A_230 = tpu.memref_slice %arg7[%dma_start3A_227, %dma_start3A_228, %dma_start3A_229] : memref<2x128x128xf32, #tpu.memory_space<vmem>> -> memref<1x128x128xf32, #tpu.memory_space<vmem>>
        %dma_start3A_231 = tpu.memref_squeeze %dma_start3A_230 : memref<1x128x128xf32, #tpu.memory_space<vmem>> -> memref<128x128xf32, #tpu.memory_space<vmem>>
        %dma_start3A_232 = arith.constant 128 : i32
        %dma_start3A_233 = tpu.memref_slice %arg4[%mul3A_164, %dma_start3A_232] : memref<320000x256xf32, #tpu.memory_space<hbm>> -> memref<128x128xf32, #tpu.memory_space<hbm>>
        %dma_start3A_234 = arith.constant 128 : i32
        %dma_start3A_235 = tpu.memref_slice %arg4[%mul3A_164, %dma_start3A_234] : memref<320000x256xf32, #tpu.memory_space<hbm>> -> memref<128x128xf32, #tpu.memory_space<hbm>>
        %dma_start3A_236 = arith.constant 0 : i32
        %dma_start3A_237 = arith.constant 0 : i32
        %dma_start3A_238 = tpu.memref_slice %arg7[%dma_start3A_227, %dma_start3A_236, %dma_start3A_237] : memref<2x128x128xf32, #tpu.memory_space<vmem>> -> memref<1x128x128xf32, #tpu.memory_space<vmem>>
        %dma_start3A_239 = tpu.memref_squeeze %dma_start3A_238 : memref<1x128x128xf32, #tpu.memory_space<vmem>> -> memref<128x128xf32, #tpu.memory_space<vmem>>
        tpu.enqueue_dma source(%dma_start3A_239 : memref<128x128xf32, #tpu.memory_space<vmem>>) target(%dma_start3A_235 : memref<128x128xf32, #tpu.memory_space<hbm>>) target_semaphore(%arg12 : memref<!tpu.dma_semaphore, #tpu.memory_space<semaphore_mem>>)
      } else {
      }
      %add3A_133 = arith.constant 1 : i32
      %add3A_134 = arith.addi %add3A_122, %add3A_133 : i32
      %mul3A_135 = arith.constant 32 : i32
      %mul3A_136 = arith.muli %add3A_134, %mul3A_135 : i32
      %add3A_137 = arith.addi %mul3A_136, %add3A : i32
      %lt3A_138 = arith.constant 2500 : i32
      %lt3A_139 = arith.cmpi slt, %add3A_137, %lt3A_138 : i32
      %convert_element_type3A_140 = arith.extui %lt3A_139 : i1 to i32
      %cond3A_141 = arith.constant 0 : i32
      %cond3A_142 = arith.cmpi ne, %convert_element_type3A_140, %cond3A_141 : i32
      scf.if %cond3A_142 {
        %mul3A_163 = arith.constant 128 : i32
        %mul3A_164 = arith.muli %add3A_137, %mul3A_163 : i32
        %add3A_165 = arith.constant 64 : i32
        %add3A_166 = arith.addi %add3A_137, %add3A_165 : i32
        %lt3A_167 = arith.constant 2500 : i32
        %lt3A_168 = arith.cmpi slt, %add3A_166, %lt3A_167 : i32
        %convert_element_type3A_169 = arith.extui %lt3A_168 : i1 to i32
        %cond3A_170 = arith.constant 0 : i32
        %cond3A_171 = arith.cmpi ne, %convert_element_type3A_169, %cond3A_170 : i32
        scf.if %cond3A_171 {
          %add3A_240 = arith.constant 64 : i32
          %add3A_241 = arith.addi %add3A_137, %add3A_240 : i32
          %mul3A_242 = arith.constant 128 : i32
          %mul3A_243 = arith.muli %add3A_241, %mul3A_242 : i32
          %dma_start3A_244 = arith.constant 3 : i32
          %dma_start3A_245 = arith.constant 0 : i32
          %dma_start3A_246 = arith.constant 0 : i32
          %dma_start3A_247 = tpu.memref_slice %arg5[%dma_start3A_244, %dma_start3A_245, %dma_start3A_246] : memref<4x2x128xi32, #tpu.memory_space<vmem>> -> memref<1x2x128xi32, #tpu.memory_space<vmem>>
          %dma_start3A_248 = tpu.memref_squeeze %dma_start3A_247 : memref<1x2x128xi32, #tpu.memory_space<vmem>> -> memref<2x128xi32, #tpu.memory_space<vmem>>
          %dma_start3A_249 = arith.constant 0 : i32
          %dma_start3A_250 = tpu.memref_slice %arg3[%dma_start3A_249, %mul3A_243] : memref<2x320000xi32, #tpu.memory_space<hbm>> -> memref<2x128xi32, #tpu.memory_space<hbm>>
          %dma_start3A_251 = arith.constant 0 : i32
          %dma_start3A_252 = arith.constant 0 : i32
          %dma_start3A_253 = tpu.memref_slice %arg5[%dma_start3A_244, %dma_start3A_251, %dma_start3A_252] : memref<4x2x128xi32, #tpu.memory_space<vmem>> -> memref<1x2x128xi32, #tpu.memory_space<vmem>>
          %dma_start3A_254 = tpu.memref_squeeze %dma_start3A_253 : memref<1x2x128xi32, #tpu.memory_space<vmem>> -> memref<2x128xi32, #tpu.memory_space<vmem>>
          %dma_start3A_255 = arith.constant 0 : i32
          %dma_start3A_256 = tpu.memref_slice %arg3[%dma_start3A_255, %mul3A_243] : memref<2x320000xi32, #tpu.memory_space<hbm>> -> memref<2x128xi32, #tpu.memory_space<hbm>>
          tpu.enqueue_dma source(%dma_start3A_256 : memref<2x128xi32, #tpu.memory_space<hbm>>) target(%dma_start3A_254 : memref<2x128xi32, #tpu.memory_space<vmem>>) target_semaphore(%arg17 : memref<!tpu.dma_semaphore, #tpu.memory_space<semaphore_mem>>)
        } else {
        }
        %ge3A_172 = arith.constant 1 : i32
        %ge3A_173 = arith.cmpi sge, %add3A_134, %ge3A_172 : i32
        %convert_element_type3A_174 = arith.extui %ge3A_173 : i1 to i32
        %cond3A_175 = arith.constant 0 : i32
        %cond3A_176 = arith.cmpi ne, %convert_element_type3A_174, %cond3A_175 : i32
        scf.if %cond3A_176 {
          %dma_wait3A_240 = arith.constant 0 : i32
          %dma_wait3A_241 = arith.constant 0 : i32
          %dma_wait3A_242 = arith.constant 0 : i32
          %dma_wait3A_243 = tpu.memref_slice %arg6[%dma_wait3A_240, %dma_wait3A_241, %dma_wait3A_242] : memref<2x128x128xf32, #tpu.memory_space<vmem>> -> memref<1x128x128xf32, #tpu.memory_space<vmem>>
          %dma_wait3A_244 = tpu.memref_squeeze %dma_wait3A_243 : memref<1x128x128xf32, #tpu.memory_space<vmem>> -> memref<128x128xf32, #tpu.memory_space<vmem>>
          %dma_wait3A_245 = arith.constant 0 : i32
          %dma_wait3A_246 = arith.constant 0 : i32
          %dma_wait3A_247 = tpu.memref_slice %arg4[%dma_wait3A_245, %dma_wait3A_246] : memref<320000x256xf32, #tpu.memory_space<hbm>> -> memref<128x128xf32, #tpu.memory_space<hbm>>
          %dma_wait3A_248 = arith.constant 0 : i32
          %dma_wait3A_249 = arith.constant 0 : i32
          %dma_wait3A_250 = tpu.memref_slice %arg4[%dma_wait3A_248, %dma_wait3A_249] : memref<320000x256xf32, #tpu.memory_space<hbm>> -> memref<128x128xf32, #tpu.memory_space<hbm>>
          %dma_wait3A_251 = arith.constant 0 : i32
          %dma_wait3A_252 = arith.constant 0 : i32
          %dma_wait3A_253 = tpu.memref_slice %arg6[%dma_wait3A_240, %dma_wait3A_251, %dma_wait3A_252] : memref<2x128x128xf32, #tpu.memory_space<vmem>> -> memref<1x128x128xf32, #tpu.memory_space<vmem>>
          %dma_wait3A_254 = tpu.memref_squeeze %dma_wait3A_253 : memref<1x128x128xf32, #tpu.memory_space<vmem>> -> memref<128x128xf32, #tpu.memory_space<vmem>>
          tpu.wait_dma2 semaphore(%arg12 : memref<!tpu.dma_semaphore, #tpu.memory_space<semaphore_mem>>) src(%dma_wait3A_254 : memref<128x128xf32, #tpu.memory_space<vmem>>) dst(%dma_wait3A_250 : memref<128x128xf32, #tpu.memory_space<hbm>>)
          %dma_wait3A_255 = arith.constant 0 : i32
          %dma_wait3A_256 = arith.constant 0 : i32
          %dma_wait3A_257 = arith.constant 0 : i32
          %dma_wait3A_258 = tpu.memref_slice %arg6[%dma_wait3A_255, %dma_wait3A_256, %dma_wait3A_257] : memref<2x128x128xf32, #tpu.memory_space<vmem>> -> memref<1x128x128xf32, #tpu.memory_space<vmem>>
          %dma_wait3A_259 = tpu.memref_squeeze %dma_wait3A_258 : memref<1x128x128xf32, #tpu.memory_space<vmem>> -> memref<128x128xf32, #tpu.memory_space<vmem>>
          %dma_wait3A_260 = arith.constant 0 : i32
          %dma_wait3A_261 = arith.constant 128 : i32
          %dma_wait3A_262 = tpu.memref_slice %arg4[%dma_wait3A_260, %dma_wait3A_261] : memref<320000x256xf32, #tpu.memory_space<hbm>> -> memref<128x128xf32, #tpu.memory_space<hbm>>
          %dma_wait3A_263 = arith.constant 0 : i32
          %dma_wait3A_264 = arith.constant 128 : i32
          %dma_wait3A_265 = tpu.memref_slice %arg4[%dma_wait3A_263, %dma_wait3A_264] : memref<320000x256xf32, #tpu.memory_space<hbm>> -> memref<128x128xf32, #tpu.memory_space<hbm>>
          %dma_wait3A_266 = arith.constant 0 : i32
          %dma_wait3A_267 = arith.constant 0 : i32
          %dma_wait3A_268 = tpu.memref_slice %arg6[%dma_wait3A_255, %dma_wait3A_266, %dma_wait3A_267] : memref<2x128x128xf32, #tpu.memory_space<vmem>> -> memref<1x128x128xf32, #tpu.memory_space<vmem>>
          %dma_wait3A_269 = tpu.memref_squeeze %dma_wait3A_268 : memref<1x128x128xf32, #tpu.memory_space<vmem>> -> memref<128x128xf32, #tpu.memory_space<vmem>>
          tpu.wait_dma2 semaphore(%arg12 : memref<!tpu.dma_semaphore, #tpu.memory_space<semaphore_mem>>) src(%dma_wait3A_269 : memref<128x128xf32, #tpu.memory_space<vmem>>) dst(%dma_wait3A_265 : memref<128x128xf32, #tpu.memory_space<hbm>>)
        } else {
        }
        %add3A_177 = arith.constant 32 : i32
        %add3A_178 = arith.addi %add3A_137, %add3A_177 : i32
        %lt3A_179 = arith.constant 2500 : i32
        %lt3A_180 = arith.cmpi slt, %add3A_178, %lt3A_179 : i32
        %convert_element_type3A_181 = arith.extui %lt3A_180 : i1 to i32
        %cond3A_182 = arith.constant 0 : i32
        %cond3A_183 = arith.cmpi ne, %convert_element_type3A_181, %cond3A_182 : i32
        scf.if %cond3A_183 {
          %dma_wait3A_240 = arith.constant 2 : i32
          %dma_wait3A_241 = arith.constant 0 : i32
          %dma_wait3A_242 = arith.constant 0 : i32
          %dma_wait3A_243 = tpu.memref_slice %arg5[%dma_wait3A_240, %dma_wait3A_241, %dma_wait3A_242] : memref<4x2x128xi32, #tpu.memory_space<vmem>> -> memref<1x2x128xi32, #tpu.memory_space<vmem>>
          %dma_wait3A_244 = tpu.memref_squeeze %dma_wait3A_243 : memref<1x2x128xi32, #tpu.memory_space<vmem>> -> memref<2x128xi32, #tpu.memory_space<vmem>>
          %dma_wait3A_245 = arith.constant 0 : i32
          %dma_wait3A_246 = arith.constant 0 : i32
          %dma_wait3A_247 = tpu.memref_slice %arg3[%dma_wait3A_245, %dma_wait3A_246] : memref<2x320000xi32, #tpu.memory_space<hbm>> -> memref<2x128xi32, #tpu.memory_space<hbm>>
          %dma_wait3A_248 = arith.constant 0 : i32
          %dma_wait3A_249 = arith.constant 0 : i32
          %dma_wait3A_250 = tpu.memref_slice %arg5[%dma_wait3A_240, %dma_wait3A_248, %dma_wait3A_249] : memref<4x2x128xi32, #tpu.memory_space<vmem>> -> memref<1x2x128xi32, #tpu.memory_space<vmem>>
          %dma_wait3A_251 = tpu.memref_squeeze %dma_wait3A_250 : memref<1x2x128xi32, #tpu.memory_space<vmem>> -> memref<2x128xi32, #tpu.memory_space<vmem>>
          %dma_wait3A_252 = arith.constant 0 : i32
          %dma_wait3A_253 = arith.constant 0 : i32
          %dma_wait3A_254 = tpu.memref_slice %arg3[%dma_wait3A_252, %dma_wait3A_253] : memref<2x320000xi32, #tpu.memory_space<hbm>> -> memref<2x128xi32, #tpu.memory_space<hbm>>
          tpu.wait_dma2 semaphore(%arg16 : memref<!tpu.dma_semaphore, #tpu.memory_space<semaphore_mem>>) src(%dma_wait3A_254 : memref<2x128xi32, #tpu.memory_space<hbm>>) dst(%dma_wait3A_251 : memref<2x128xi32, #tpu.memory_space<vmem>>)
          %dma_start3A_255 = arith.constant 2 : i32
          %dma_start3A_256 = arith.constant 0 : i32
          %dma_start3A_257 = arith.constant 0 : i32
          %dma_start3A_258 = arith.constant 0 : i32
          %dma_start3A_259 = arith.constant 0 : i32
          %dma_start3A_260 = tpu.memref_slice %arg6[%dma_start3A_257, %dma_start3A_258, %dma_start3A_259] : memref<2x128x128xf32, #tpu.memory_space<vmem>> -> memref<1x128x128xf32, #tpu.memory_space<vmem>>
          %dma_start3A_261 = tpu.memref_squeeze %dma_start3A_260 : memref<1x128x128xf32, #tpu.memory_space<vmem>> -> memref<128x128xf32, #tpu.memory_space<vmem>>
          %dma_start3A_262 = arith.constant 0 : i32
          %dma_start3A_263 = arith.constant 0 : i32
          %dma_start3A_264 = tpu.memref_slice %arg5[%dma_start3A_255, %dma_start3A_262, %dma_start3A_263] : memref<4x2x128xi32, #tpu.memory_space<vmem>> -> memref<1x2x128xi32, #tpu.memory_space<vmem>>
          %dma_start3A_265 = tpu.memref_squeeze %dma_start3A_264 : memref<1x2x128xi32, #tpu.memory_space<vmem>> -> memref<2x128xi32, #tpu.memory_space<vmem>>
          %dma_start3A_266 = arith.constant 0 : i32
          %dma_start3A_267 = tpu.memref_slice %dma_start3A_265[%dma_start3A_256, %dma_start3A_266] : memref<2x128xi32, #tpu.memory_space<vmem>> -> memref<1x128xi32, #tpu.memory_space<vmem>>
          %dma_start3A_268 = tpu.memref_squeeze %dma_start3A_267 : memref<1x128xi32, #tpu.memory_space<vmem>> -> memref<128xi32, #tpu.memory_space<vmem>>
          %dma_start3A_269 = arith.constant 0 : i32
          %dma_start3A_270 = arith.constant 0 : i32
          %dma_start3A_271 = tpu.memref_slice %arg2[%dma_start3A_269, %dma_start3A_270] : memref<10000x128xf32, #tpu.memory_space<hbm>> -> memref<10000x128xf32, #tpu.memory_space<hbm>>
          tpu.enqueue_indirect_dma source(%dma_start3A_271 : memref<10000x128xf32, #tpu.memory_space<hbm>>) target(%dma_start3A_261 : memref<128x128xf32, #tpu.memory_space<vmem>>) offsets(%dma_start3A_268 : memref<128xi32, #tpu.memory_space<vmem>>) semaphore(%arg8 : memref<!tpu.dma_semaphore, #tpu.memory_space<semaphore_mem>>)
          %dma_start3A_272 = arith.constant 2 : i32
          %dma_start3A_273 = arith.constant 1 : i32
          %dma_start3A_274 = arith.constant 0 : i32
          %dma_start3A_275 = arith.constant 0 : i32
          %dma_start3A_276 = arith.constant 0 : i32
          %dma_start3A_277 = tpu.memref_slice %arg7[%dma_start3A_274, %dma_start3A_275, %dma_start3A_276] : memref<2x128x128xf32, #tpu.memory_space<vmem>> -> memref<1x128x128xf32, #tpu.memory_space<vmem>>
          %dma_start3A_278 = tpu.memref_squeeze %dma_start3A_277 : memref<1x128x128xf32, #tpu.memory_space<vmem>> -> memref<128x128xf32, #tpu.memory_space<vmem>>
          %dma_start3A_279 = arith.constant 0 : i32
          %dma_start3A_280 = arith.constant 0 : i32
          %dma_start3A_281 = tpu.memref_slice %arg5[%dma_start3A_272, %dma_start3A_279, %dma_start3A_280] : memref<4x2x128xi32, #tpu.memory_space<vmem>> -> memref<1x2x128xi32, #tpu.memory_space<vmem>>
          %dma_start3A_282 = tpu.memref_squeeze %dma_start3A_281 : memref<1x2x128xi32, #tpu.memory_space<vmem>> -> memref<2x128xi32, #tpu.memory_space<vmem>>
          %dma_start3A_283 = arith.constant 0 : i32
          %dma_start3A_284 = tpu.memref_slice %dma_start3A_282[%dma_start3A_273, %dma_start3A_283] : memref<2x128xi32, #tpu.memory_space<vmem>> -> memref<1x128xi32, #tpu.memory_space<vmem>>
          %dma_start3A_285 = tpu.memref_squeeze %dma_start3A_284 : memref<1x128xi32, #tpu.memory_space<vmem>> -> memref<128xi32, #tpu.memory_space<vmem>>
          %dma_start3A_286 = arith.constant 0 : i32
          %dma_start3A_287 = arith.constant 0 : i32
          %dma_start3A_288 = tpu.memref_slice %arg2[%dma_start3A_286, %dma_start3A_287] : memref<10000x128xf32, #tpu.memory_space<hbm>> -> memref<10000x128xf32, #tpu.memory_space<hbm>>
          tpu.enqueue_indirect_dma source(%dma_start3A_288 : memref<10000x128xf32, #tpu.memory_space<hbm>>) target(%dma_start3A_278 : memref<128x128xf32, #tpu.memory_space<vmem>>) offsets(%dma_start3A_285 : memref<128xi32, #tpu.memory_space<vmem>>) semaphore(%arg10 : memref<!tpu.dma_semaphore, #tpu.memory_space<semaphore_mem>>)
        } else {
        }
        %dma_wait3A_184 = arith.constant 1 : i32
        %dma_wait3A_185 = arith.constant 0 : i32
        %dma_wait3A_186 = arith.constant 0 : i32
        %dma_wait3A_187 = tpu.memref_slice %arg6[%dma_wait3A_184, %dma_wait3A_185, %dma_wait3A_186] : memref<2x128x128xf32, #tpu.memory_space<vmem>> -> memref<1x128x128xf32, #tpu.memory_space<vmem>>
        %dma_wait3A_188 = tpu.memref_squeeze %dma_wait3A_187 : memref<1x128x128xf32, #tpu.memory_space<vmem>> -> memref<128x128xf32, #tpu.memory_space<vmem>>
        %dma_wait3A_189 = arith.constant 0 : i32
        %dma_wait3A_190 = arith.constant 0 : i32
        %dma_wait3A_191 = tpu.memref_slice %arg2[%dma_wait3A_189, %dma_wait3A_190] : memref<10000x128xf32, #tpu.memory_space<hbm>> -> memref<128x128xf32, #tpu.memory_space<hbm>>
        %dma_wait3A_192 = arith.constant 0 : i32
        %dma_wait3A_193 = arith.constant 0 : i32
        %dma_wait3A_194 = tpu.memref_slice %arg6[%dma_wait3A_184, %dma_wait3A_192, %dma_wait3A_193] : memref<2x128x128xf32, #tpu.memory_space<vmem>> -> memref<1x128x128xf32, #tpu.memory_space<vmem>>
        %dma_wait3A_195 = tpu.memref_squeeze %dma_wait3A_194 : memref<1x128x128xf32, #tpu.memory_space<vmem>> -> memref<128x128xf32, #tpu.memory_space<vmem>>
        %dma_wait3A_196 = arith.constant 0 : i32
        %dma_wait3A_197 = arith.constant 0 : i32
        %dma_wait3A_198 = tpu.memref_slice %arg2[%dma_wait3A_196, %dma_wait3A_197] : memref<10000x128xf32, #tpu.memory_space<hbm>> -> memref<128x128xf32, #tpu.memory_space<hbm>>
        tpu.wait_dma2 semaphore(%arg9 : memref<!tpu.dma_semaphore, #tpu.memory_space<semaphore_mem>>) src(%dma_wait3A_198 : memref<128x128xf32, #tpu.memory_space<hbm>>) dst(%dma_wait3A_195 : memref<128x128xf32, #tpu.memory_space<vmem>>)
        %dma_wait3A_199 = arith.constant 1 : i32
        %dma_wait3A_200 = arith.constant 0 : i32
        %dma_wait3A_201 = arith.constant 0 : i32
        %dma_wait3A_202 = tpu.memref_slice %arg7[%dma_wait3A_199, %dma_wait3A_200, %dma_wait3A_201] : memref<2x128x128xf32, #tpu.memory_space<vmem>> -> memref<1x128x128xf32, #tpu.memory_space<vmem>>
        %dma_wait3A_203 = tpu.memref_squeeze %dma_wait3A_202 : memref<1x128x128xf32, #tpu.memory_space<vmem>> -> memref<128x128xf32, #tpu.memory_space<vmem>>
        %dma_wait3A_204 = arith.constant 0 : i32
        %dma_wait3A_205 = arith.constant 0 : i32
        %dma_wait3A_206 = tpu.memref_slice %arg2[%dma_wait3A_204, %dma_wait3A_205] : memref<10000x128xf32, #tpu.memory_space<hbm>> -> memref<128x128xf32, #tpu.memory_space<hbm>>
        %dma_wait3A_207 = arith.constant 0 : i32
        %dma_wait3A_208 = arith.constant 0 : i32
        %dma_wait3A_209 = tpu.memref_slice %arg7[%dma_wait3A_199, %dma_wait3A_207, %dma_wait3A_208] : memref<2x128x128xf32, #tpu.memory_space<vmem>> -> memref<1x128x128xf32, #tpu.memory_space<vmem>>
        %dma_wait3A_210 = tpu.memref_squeeze %dma_wait3A_209 : memref<1x128x128xf32, #tpu.memory_space<vmem>> -> memref<128x128xf32, #tpu.memory_space<vmem>>
        %dma_wait3A_211 = arith.constant 0 : i32
        %dma_wait3A_212 = arith.constant 0 : i32
        %dma_wait3A_213 = tpu.memref_slice %arg2[%dma_wait3A_211, %dma_wait3A_212] : memref<10000x128xf32, #tpu.memory_space<hbm>> -> memref<128x128xf32, #tpu.memory_space<hbm>>
        tpu.wait_dma2 semaphore(%arg11 : memref<!tpu.dma_semaphore, #tpu.memory_space<semaphore_mem>>) src(%dma_wait3A_213 : memref<128x128xf32, #tpu.memory_space<hbm>>) dst(%dma_wait3A_210 : memref<128x128xf32, #tpu.memory_space<vmem>>)
        %dma_start3A_214 = arith.constant 1 : i32
        %dma_start3A_215 = arith.constant 0 : i32
        %dma_start3A_216 = arith.constant 0 : i32
        %dma_start3A_217 = tpu.memref_slice %arg6[%dma_start3A_214, %dma_start3A_215, %dma_start3A_216] : memref<2x128x128xf32, #tpu.memory_space<vmem>> -> memref<1x128x128xf32, #tpu.memory_space<vmem>>
        %dma_start3A_218 = tpu.memref_squeeze %dma_start3A_217 : memref<1x128x128xf32, #tpu.memory_space<vmem>> -> memref<128x128xf32, #tpu.memory_space<vmem>>
        %dma_start3A_219 = arith.constant 0 : i32
        %dma_start3A_220 = tpu.memref_slice %arg4[%mul3A_164, %dma_start3A_219] : memref<320000x256xf32, #tpu.memory_space<hbm>> -> memref<128x128xf32, #tpu.memory_space<hbm>>
        %dma_start3A_221 = arith.constant 0 : i32
        %dma_start3A_222 = tpu.memref_slice %arg4[%mul3A_164, %dma_start3A_221] : memref<320000x256xf32, #tpu.memory_space<hbm>> -> memref<128x128xf32, #tpu.memory_space<hbm>>
        %dma_start3A_223 = arith.constant 0 : i32
        %dma_start3A_224 = arith.constant 0 : i32
        %dma_start3A_225 = tpu.memref_slice %arg6[%dma_start3A_214, %dma_start3A_223, %dma_start3A_224] : memref<2x128x128xf32, #tpu.memory_space<vmem>> -> memref<1x128x128xf32, #tpu.memory_space<vmem>>
        %dma_start3A_226 = tpu.memref_squeeze %dma_start3A_225 : memref<1x128x128xf32, #tpu.memory_space<vmem>> -> memref<128x128xf32, #tpu.memory_space<vmem>>
        tpu.enqueue_dma source(%dma_start3A_226 : memref<128x128xf32, #tpu.memory_space<vmem>>) target(%dma_start3A_222 : memref<128x128xf32, #tpu.memory_space<hbm>>) target_semaphore(%arg13 : memref<!tpu.dma_semaphore, #tpu.memory_space<semaphore_mem>>)
        %dma_start3A_227 = arith.constant 1 : i32
        %dma_start3A_228 = arith.constant 0 : i32
        %dma_start3A_229 = arith.constant 0 : i32
        %dma_start3A_230 = tpu.memref_slice %arg7[%dma_start3A_227, %dma_start3A_228, %dma_start3A_229] : memref<2x128x128xf32, #tpu.memory_space<vmem>> -> memref<1x128x128xf32, #tpu.memory_space<vmem>>
        %dma_start3A_231 = tpu.memref_squeeze %dma_start3A_230 : memref<1x128x128xf32, #tpu.memory_space<vmem>> -> memref<128x128xf32, #tpu.memory_space<vmem>>
        %dma_start3A_232 = arith.constant 128 : i32
        %dma_start3A_233 = tpu.memref_slice %arg4[%mul3A_164, %dma_start3A_232] : memref<320000x256xf32, #tpu.memory_space<hbm>> -> memref<128x128xf32, #tpu.memory_space<hbm>>
        %dma_start3A_234 = arith.constant 128 : i32
        %dma_start3A_235 = tpu.memref_slice %arg4[%mul3A_164, %dma_start3A_234] : memref<320000x256xf32, #tpu.memory_space<hbm>> -> memref<128x128xf32, #tpu.memory_space<hbm>>
        %dma_start3A_236 = arith.constant 0 : i32
        %dma_start3A_237 = arith.constant 0 : i32
        %dma_start3A_238 = tpu.memref_slice %arg7[%dma_start3A_227, %dma_start3A_236, %dma_start3A_237] : memref<2x128x128xf32, #tpu.memory_space<vmem>> -> memref<1x128x128xf32, #tpu.memory_space<vmem>>
        %dma_start3A_239 = tpu.memref_squeeze %dma_start3A_238 : memref<1x128x128xf32, #tpu.memory_space<vmem>> -> memref<128x128xf32, #tpu.memory_space<vmem>>
        tpu.enqueue_dma source(%dma_start3A_239 : memref<128x128xf32, #tpu.memory_space<vmem>>) target(%dma_start3A_235 : memref<128x128xf32, #tpu.memory_space<hbm>>) target_semaphore(%arg13 : memref<!tpu.dma_semaphore, #tpu.memory_space<semaphore_mem>>)
      } else {
      }
      %add3A_143 = arith.constant 2 : i32
      %add3A_144 = arith.addi %add3A_122, %add3A_143 : i32
      %mul3A_145 = arith.constant 32 : i32
      %mul3A_146 = arith.muli %add3A_144, %mul3A_145 : i32
      %add3A_147 = arith.addi %mul3A_146, %add3A : i32
      %lt3A_148 = arith.constant 2500 : i32
      %lt3A_149 = arith.cmpi slt, %add3A_147, %lt3A_148 : i32
      %convert_element_type3A_150 = arith.extui %lt3A_149 : i1 to i32
      %cond3A_151 = arith.constant 0 : i32
      %cond3A_152 = arith.cmpi ne, %convert_element_type3A_150, %cond3A_151 : i32
      scf.if %cond3A_152 {
        %mul3A_163 = arith.constant 128 : i32
        %mul3A_164 = arith.muli %add3A_147, %mul3A_163 : i32
        %add3A_165 = arith.constant 64 : i32
        %add3A_166 = arith.addi %add3A_147, %add3A_165 : i32
        %lt3A_167 = arith.constant 2500 : i32
        %lt3A_168 = arith.cmpi slt, %add3A_166, %lt3A_167 : i32
        %convert_element_type3A_169 = arith.extui %lt3A_168 : i1 to i32
        %cond3A_170 = arith.constant 0 : i32
        %cond3A_171 = arith.cmpi ne, %convert_element_type3A_169, %cond3A_170 : i32
        scf.if %cond3A_171 {
          %add3A_240 = arith.constant 64 : i32
          %add3A_241 = arith.addi %add3A_147, %add3A_240 : i32
          %mul3A_242 = arith.constant 128 : i32
          %mul3A_243 = arith.muli %add3A_241, %mul3A_242 : i32
          %dma_start3A_244 = arith.constant 0 : i32
          %dma_start3A_245 = arith.constant 0 : i32
          %dma_start3A_246 = arith.constant 0 : i32
          %dma_start3A_247 = tpu.memref_slice %arg5[%dma_start3A_244, %dma_start3A_245, %dma_start3A_246] : memref<4x2x128xi32, #tpu.memory_space<vmem>> -> memref<1x2x128xi32, #tpu.memory_space<vmem>>
          %dma_start3A_248 = tpu.memref_squeeze %dma_start3A_247 : memref<1x2x128xi32, #tpu.memory_space<vmem>> -> memref<2x128xi32, #tpu.memory_space<vmem>>
          %dma_start3A_249 = arith.constant 0 : i32
          %dma_start3A_250 = tpu.memref_slice %arg3[%dma_start3A_249, %mul3A_243] : memref<2x320000xi32, #tpu.memory_space<hbm>> -> memref<2x128xi32, #tpu.memory_space<hbm>>
          %dma_start3A_251 = arith.constant 0 : i32
          %dma_start3A_252 = arith.constant 0 : i32
          %dma_start3A_253 = tpu.memref_slice %arg5[%dma_start3A_244, %dma_start3A_251, %dma_start3A_252] : memref<4x2x128xi32, #tpu.memory_space<vmem>> -> memref<1x2x128xi32, #tpu.memory_space<vmem>>
          %dma_start3A_254 = tpu.memref_squeeze %dma_start3A_253 : memref<1x2x128xi32, #tpu.memory_space<vmem>> -> memref<2x128xi32, #tpu.memory_space<vmem>>
          %dma_start3A_255 = arith.constant 0 : i32
          %dma_start3A_256 = tpu.memref_slice %arg3[%dma_start3A_255, %mul3A_243] : memref<2x320000xi32, #tpu.memory_space<hbm>> -> memref<2x128xi32, #tpu.memory_space<hbm>>
          tpu.enqueue_dma source(%dma_start3A_256 : memref<2x128xi32, #tpu.memory_space<hbm>>) target(%dma_start3A_254 : memref<2x128xi32, #tpu.memory_space<vmem>>) target_semaphore(%arg14 : memref<!tpu.dma_semaphore, #tpu.memory_space<semaphore_mem>>)
        } else {
        }
        %ge3A_172 = arith.constant 1 : i32
        %ge3A_173 = arith.cmpi sge, %add3A_144, %ge3A_172 : i32
        %convert_element_type3A_174 = arith.extui %ge3A_173 : i1 to i32
        %cond3A_175 = arith.constant 0 : i32
        %cond3A_176 = arith.cmpi ne, %convert_element_type3A_174, %cond3A_175 : i32
        scf.if %cond3A_176 {
          %dma_wait3A_240 = arith.constant 1 : i32
          %dma_wait3A_241 = arith.constant 0 : i32
          %dma_wait3A_242 = arith.constant 0 : i32
          %dma_wait3A_243 = tpu.memref_slice %arg6[%dma_wait3A_240, %dma_wait3A_241, %dma_wait3A_242] : memref<2x128x128xf32, #tpu.memory_space<vmem>> -> memref<1x128x128xf32, #tpu.memory_space<vmem>>
          %dma_wait3A_244 = tpu.memref_squeeze %dma_wait3A_243 : memref<1x128x128xf32, #tpu.memory_space<vmem>> -> memref<128x128xf32, #tpu.memory_space<vmem>>
          %dma_wait3A_245 = arith.constant 0 : i32
          %dma_wait3A_246 = arith.constant 0 : i32
          %dma_wait3A_247 = tpu.memref_slice %arg4[%dma_wait3A_245, %dma_wait3A_246] : memref<320000x256xf32, #tpu.memory_space<hbm>> -> memref<128x128xf32, #tpu.memory_space<hbm>>
          %dma_wait3A_248 = arith.constant 0 : i32
          %dma_wait3A_249 = arith.constant 0 : i32
          %dma_wait3A_250 = tpu.memref_slice %arg4[%dma_wait3A_248, %dma_wait3A_249] : memref<320000x256xf32, #tpu.memory_space<hbm>> -> memref<128x128xf32, #tpu.memory_space<hbm>>
          %dma_wait3A_251 = arith.constant 0 : i32
          %dma_wait3A_252 = arith.constant 0 : i32
          %dma_wait3A_253 = tpu.memref_slice %arg6[%dma_wait3A_240, %dma_wait3A_251, %dma_wait3A_252] : memref<2x128x128xf32, #tpu.memory_space<vmem>> -> memref<1x128x128xf32, #tpu.memory_space<vmem>>
          %dma_wait3A_254 = tpu.memref_squeeze %dma_wait3A_253 : memref<1x128x128xf32, #tpu.memory_space<vmem>> -> memref<128x128xf32, #tpu.memory_space<vmem>>
          tpu.wait_dma2 semaphore(%arg13 : memref<!tpu.dma_semaphore, #tpu.memory_space<semaphore_mem>>) src(%dma_wait3A_254 : memref<128x128xf32, #tpu.memory_space<vmem>>) dst(%dma_wait3A_250 : memref<128x128xf32, #tpu.memory_space<hbm>>)
          %dma_wait3A_255 = arith.constant 1 : i32
          %dma_wait3A_256 = arith.constant 0 : i32
          %dma_wait3A_257 = arith.constant 0 : i32
          %dma_wait3A_258 = tpu.memref_slice %arg6[%dma_wait3A_255, %dma_wait3A_256, %dma_wait3A_257] : memref<2x128x128xf32, #tpu.memory_space<vmem>> -> memref<1x128x128xf32, #tpu.memory_space<vmem>>
          %dma_wait3A_259 = tpu.memref_squeeze %dma_wait3A_258 : memref<1x128x128xf32, #tpu.memory_space<vmem>> -> memref<128x128xf32, #tpu.memory_space<vmem>>
          %dma_wait3A_260 = arith.constant 0 : i32
          %dma_wait3A_261 = arith.constant 128 : i32
          %dma_wait3A_262 = tpu.memref_slice %arg4[%dma_wait3A_260, %dma_wait3A_261] : memref<320000x256xf32, #tpu.memory_space<hbm>> -> memref<128x128xf32, #tpu.memory_space<hbm>>
          %dma_wait3A_263 = arith.constant 0 : i32
          %dma_wait3A_264 = arith.constant 128 : i32
          %dma_wait3A_265 = tpu.memref_slice %arg4[%dma_wait3A_263, %dma_wait3A_264] : memref<320000x256xf32, #tpu.memory_space<hbm>> -> memref<128x128xf32, #tpu.memory_space<hbm>>
          %dma_wait3A_266 = arith.constant 0 : i32
          %dma_wait3A_267 = arith.constant 0 : i32
          %dma_wait3A_268 = tpu.memref_slice %arg6[%dma_wait3A_255, %dma_wait3A_266, %dma_wait3A_267] : memref<2x128x128xf32, #tpu.memory_space<vmem>> -> memref<1x128x128xf32, #tpu.memory_space<vmem>>
          %dma_wait3A_269 = tpu.memref_squeeze %dma_wait3A_268 : memref<1x128x128xf32, #tpu.memory_space<vmem>> -> memref<128x128xf32, #tpu.memory_space<vmem>>
          tpu.wait_dma2 semaphore(%arg13 : memref<!tpu.dma_semaphore, #tpu.memory_space<semaphore_mem>>) src(%dma_wait3A_269 : memref<128x128xf32, #tpu.memory_space<vmem>>) dst(%dma_wait3A_265 : memref<128x128xf32, #tpu.memory_space<hbm>>)
        } else {
        }
        %add3A_177 = arith.constant 32 : i32
        %add3A_178 = arith.addi %add3A_147, %add3A_177 : i32
        %lt3A_179 = arith.constant 2500 : i32
        %lt3A_180 = arith.cmpi slt, %add3A_178, %lt3A_179 : i32
        %convert_element_type3A_181 = arith.extui %lt3A_180 : i1 to i32
        %cond3A_182 = arith.constant 0 : i32
        %cond3A_183 = arith.cmpi ne, %convert_element_type3A_181, %cond3A_182 : i32
        scf.if %cond3A_183 {
          %dma_wait3A_240 = arith.constant 3 : i32
          %dma_wait3A_241 = arith.constant 0 : i32
          %dma_wait3A_242 = arith.constant 0 : i32
          %dma_wait3A_243 = tpu.memref_slice %arg5[%dma_wait3A_240, %dma_wait3A_241, %dma_wait3A_242] : memref<4x2x128xi32, #tpu.memory_space<vmem>> -> memref<1x2x128xi32, #tpu.memory_space<vmem>>
          %dma_wait3A_244 = tpu.memref_squeeze %dma_wait3A_243 : memref<1x2x128xi32, #tpu.memory_space<vmem>> -> memref<2x128xi32, #tpu.memory_space<vmem>>
          %dma_wait3A_245 = arith.constant 0 : i32
          %dma_wait3A_246 = arith.constant 0 : i32
          %dma_wait3A_247 = tpu.memref_slice %arg3[%dma_wait3A_245, %dma_wait3A_246] : memref<2x320000xi32, #tpu.memory_space<hbm>> -> memref<2x128xi32, #tpu.memory_space<hbm>>
          %dma_wait3A_248 = arith.constant 0 : i32
          %dma_wait3A_249 = arith.constant 0 : i32
          %dma_wait3A_250 = tpu.memref_slice %arg5[%dma_wait3A_240, %dma_wait3A_248, %dma_wait3A_249] : memref<4x2x128xi32, #tpu.memory_space<vmem>> -> memref<1x2x128xi32, #tpu.memory_space<vmem>>
          %dma_wait3A_251 = tpu.memref_squeeze %dma_wait3A_250 : memref<1x2x128xi32, #tpu.memory_space<vmem>> -> memref<2x128xi32, #tpu.memory_space<vmem>>
          %dma_wait3A_252 = arith.constant 0 : i32
          %dma_wait3A_253 = arith.constant 0 : i32
          %dma_wait3A_254 = tpu.memref_slice %arg3[%dma_wait3A_252, %dma_wait3A_253] : memref<2x320000xi32, #tpu.memory_space<hbm>> -> memref<2x128xi32, #tpu.memory_space<hbm>>
          tpu.wait_dma2 semaphore(%arg17 : memref<!tpu.dma_semaphore, #tpu.memory_space<semaphore_mem>>) src(%dma_wait3A_254 : memref<2x128xi32, #tpu.memory_space<hbm>>) dst(%dma_wait3A_251 : memref<2x128xi32, #tpu.memory_space<vmem>>)
          %dma_start3A_255 = arith.constant 3 : i32
          %dma_start3A_256 = arith.constant 0 : i32
          %dma_start3A_257 = arith.constant 1 : i32
          %dma_start3A_258 = arith.constant 0 : i32
          %dma_start3A_259 = arith.constant 0 : i32
          %dma_start3A_260 = tpu.memref_slice %arg6[%dma_start3A_257, %dma_start3A_258, %dma_start3A_259] : memref<2x128x128xf32, #tpu.memory_space<vmem>> -> memref<1x128x128xf32, #tpu.memory_space<vmem>>
          %dma_start3A_261 = tpu.memref_squeeze %dma_start3A_260 : memref<1x128x128xf32, #tpu.memory_space<vmem>> -> memref<128x128xf32, #tpu.memory_space<vmem>>
          %dma_start3A_262 = arith.constant 0 : i32
          %dma_start3A_263 = arith.constant 0 : i32
          %dma_start3A_264 = tpu.memref_slice %arg5[%dma_start3A_255, %dma_start3A_262, %dma_start3A_263] : memref<4x2x128xi32, #tpu.memory_space<vmem>> -> memref<1x2x128xi32, #tpu.memory_space<vmem>>
          %dma_start3A_265 = tpu.memref_squeeze %dma_start3A_264 : memref<1x2x128xi32, #tpu.memory_space<vmem>> -> memref<2x128xi32, #tpu.memory_space<vmem>>
          %dma_start3A_266 = arith.constant 0 : i32
          %dma_start3A_267 = tpu.memref_slice %dma_start3A_265[%dma_start3A_256, %dma_start3A_266] : memref<2x128xi32, #tpu.memory_space<vmem>> -> memref<1x128xi32, #tpu.memory_space<vmem>>
          %dma_start3A_268 = tpu.memref_squeeze %dma_start3A_267 : memref<1x128xi32, #tpu.memory_space<vmem>> -> memref<128xi32, #tpu.memory_space<vmem>>
          %dma_start3A_269 = arith.constant 0 : i32
          %dma_start3A_270 = arith.constant 0 : i32
          %dma_start3A_271 = tpu.memref_slice %arg2[%dma_start3A_269, %dma_start3A_270] : memref<10000x128xf32, #tpu.memory_space<hbm>> -> memref<10000x128xf32, #tpu.memory_space<hbm>>
          tpu.enqueue_indirect_dma source(%dma_start3A_271 : memref<10000x128xf32, #tpu.memory_space<hbm>>) target(%dma_start3A_261 : memref<128x128xf32, #tpu.memory_space<vmem>>) offsets(%dma_start3A_268 : memref<128xi32, #tpu.memory_space<vmem>>) semaphore(%arg9 : memref<!tpu.dma_semaphore, #tpu.memory_space<semaphore_mem>>)
          %dma_start3A_272 = arith.constant 3 : i32
          %dma_start3A_273 = arith.constant 1 : i32
          %dma_start3A_274 = arith.constant 1 : i32
          %dma_start3A_275 = arith.constant 0 : i32
          %dma_start3A_276 = arith.constant 0 : i32
          %dma_start3A_277 = tpu.memref_slice %arg7[%dma_start3A_274, %dma_start3A_275, %dma_start3A_276] : memref<2x128x128xf32, #tpu.memory_space<vmem>> -> memref<1x128x128xf32, #tpu.memory_space<vmem>>
          %dma_start3A_278 = tpu.memref_squeeze %dma_start3A_277 : memref<1x128x128xf32, #tpu.memory_space<vmem>> -> memref<128x128xf32, #tpu.memory_space<vmem>>
          %dma_start3A_279 = arith.constant 0 : i32
          %dma_start3A_280 = arith.constant 0 : i32
          %dma_start3A_281 = tpu.memref_slice %arg5[%dma_start3A_272, %dma_start3A_279, %dma_start3A_280] : memref<4x2x128xi32, #tpu.memory_space<vmem>> -> memref<1x2x128xi32, #tpu.memory_space<vmem>>
          %dma_start3A_282 = tpu.memref_squeeze %dma_start3A_281 : memref<1x2x128xi32, #tpu.memory_space<vmem>> -> memref<2x128xi32, #tpu.memory_space<vmem>>
          %dma_start3A_283 = arith.constant 0 : i32
          %dma_start3A_284 = tpu.memref_slice %dma_start3A_282[%dma_start3A_273, %dma_start3A_283] : memref<2x128xi32, #tpu.memory_space<vmem>> -> memref<1x128xi32, #tpu.memory_space<vmem>>
          %dma_start3A_285 = tpu.memref_squeeze %dma_start3A_284 : memref<1x128xi32, #tpu.memory_space<vmem>> -> memref<128xi32, #tpu.memory_space<vmem>>
          %dma_start3A_286 = arith.constant 0 : i32
          %dma_start3A_287 = arith.constant 0 : i32
          %dma_start3A_288 = tpu.memref_slice %arg2[%dma_start3A_286, %dma_start3A_287] : memref<10000x128xf32, #tpu.memory_space<hbm>> -> memref<10000x128xf32, #tpu.memory_space<hbm>>
          tpu.enqueue_indirect_dma source(%dma_start3A_288 : memref<10000x128xf32, #tpu.memory_space<hbm>>) target(%dma_start3A_278 : memref<128x128xf32, #tpu.memory_space<vmem>>) offsets(%dma_start3A_285 : memref<128xi32, #tpu.memory_space<vmem>>) semaphore(%arg11 : memref<!tpu.dma_semaphore, #tpu.memory_space<semaphore_mem>>)
        } else {
        }
        %dma_wait3A_184 = arith.constant 0 : i32
        %dma_wait3A_185 = arith.constant 0 : i32
        %dma_wait3A_186 = arith.constant 0 : i32
        %dma_wait3A_187 = tpu.memref_slice %arg6[%dma_wait3A_184, %dma_wait3A_185, %dma_wait3A_186] : memref<2x128x128xf32, #tpu.memory_space<vmem>> -> memref<1x128x128xf32, #tpu.memory_space<vmem>>
        %dma_wait3A_188 = tpu.memref_squeeze %dma_wait3A_187 : memref<1x128x128xf32, #tpu.memory_space<vmem>> -> memref<128x128xf32, #tpu.memory_space<vmem>>
        %dma_wait3A_189 = arith.constant 0 : i32
        %dma_wait3A_190 = arith.constant 0 : i32
        %dma_wait3A_191 = tpu.memref_slice %arg2[%dma_wait3A_189, %dma_wait3A_190] : memref<10000x128xf32, #tpu.memory_space<hbm>> -> memref<128x128xf32, #tpu.memory_space<hbm>>
        %dma_wait3A_192 = arith.constant 0 : i32
        %dma_wait3A_193 = arith.constant 0 : i32
        %dma_wait3A_194 = tpu.memref_slice %arg6[%dma_wait3A_184, %dma_wait3A_192, %dma_wait3A_193] : memref<2x128x128xf32, #tpu.memory_space<vmem>> -> memref<1x128x128xf32, #tpu.memory_space<vmem>>
        %dma_wait3A_195 = tpu.memref_squeeze %dma_wait3A_194 : memref<1x128x128xf32, #tpu.memory_space<vmem>> -> memref<128x128xf32, #tpu.memory_space<vmem>>
        %dma_wait3A_196 = arith.constant 0 : i32
        %dma_wait3A_197 = arith.constant 0 : i32
        %dma_wait3A_198 = tpu.memref_slice %arg2[%dma_wait3A_196, %dma_wait3A_197] : memref<10000x128xf32, #tpu.memory_space<hbm>> -> memref<128x128xf32, #tpu.memory_space<hbm>>
        tpu.wait_dma2 semaphore(%arg8 : memref<!tpu.dma_semaphore, #tpu.memory_space<semaphore_mem>>) src(%dma_wait3A_198 : memref<128x128xf32, #tpu.memory_space<hbm>>) dst(%dma_wait3A_195 : memref<128x128xf32, #tpu.memory_space<vmem>>)
        %dma_wait3A_199 = arith.constant 0 : i32
        %dma_wait3A_200 = arith.constant 0 : i32
        %dma_wait3A_201 = arith.constant 0 : i32
        %dma_wait3A_202 = tpu.memref_slice %arg7[%dma_wait3A_199, %dma_wait3A_200, %dma_wait3A_201] : memref<2x128x128xf32, #tpu.memory_space<vmem>> -> memref<1x128x128xf32, #tpu.memory_space<vmem>>
        %dma_wait3A_203 = tpu.memref_squeeze %dma_wait3A_202 : memref<1x128x128xf32, #tpu.memory_space<vmem>> -> memref<128x128xf32, #tpu.memory_space<vmem>>
        %dma_wait3A_204 = arith.constant 0 : i32
        %dma_wait3A_205 = arith.constant 0 : i32
        %dma_wait3A_206 = tpu.memref_slice %arg2[%dma_wait3A_204, %dma_wait3A_205] : memref<10000x128xf32, #tpu.memory_space<hbm>> -> memref<128x128xf32, #tpu.memory_space<hbm>>
        %dma_wait3A_207 = arith.constant 0 : i32
        %dma_wait3A_208 = arith.constant 0 : i32
        %dma_wait3A_209 = tpu.memref_slice %arg7[%dma_wait3A_199, %dma_wait3A_207, %dma_wait3A_208] : memref<2x128x128xf32, #tpu.memory_space<vmem>> -> memref<1x128x128xf32, #tpu.memory_space<vmem>>
        %dma_wait3A_210 = tpu.memref_squeeze %dma_wait3A_209 : memref<1x128x128xf32, #tpu.memory_space<vmem>> -> memref<128x128xf32, #tpu.memory_space<vmem>>
        %dma_wait3A_211 = arith.constant 0 : i32
        %dma_wait3A_212 = arith.constant 0 : i32
        %dma_wait3A_213 = tpu.memref_slice %arg2[%dma_wait3A_211, %dma_wait3A_212] : memref<10000x128xf32, #tpu.memory_space<hbm>> -> memref<128x128xf32, #tpu.memory_space<hbm>>
        tpu.wait_dma2 semaphore(%arg10 : memref<!tpu.dma_semaphore, #tpu.memory_space<semaphore_mem>>) src(%dma_wait3A_213 : memref<128x128xf32, #tpu.memory_space<hbm>>) dst(%dma_wait3A_210 : memref<128x128xf32, #tpu.memory_space<vmem>>)
        %dma_start3A_214 = arith.constant 0 : i32
        %dma_start3A_215 = arith.constant 0 : i32
        %dma_start3A_216 = arith.constant 0 : i32
        %dma_start3A_217 = tpu.memref_slice %arg6[%dma_start3A_214, %dma_start3A_215, %dma_start3A_216] : memref<2x128x128xf32, #tpu.memory_space<vmem>> -> memref<1x128x128xf32, #tpu.memory_space<vmem>>
        %dma_start3A_218 = tpu.memref_squeeze %dma_start3A_217 : memref<1x128x128xf32, #tpu.memory_space<vmem>> -> memref<128x128xf32, #tpu.memory_space<vmem>>
        %dma_start3A_219 = arith.constant 0 : i32
        %dma_start3A_220 = tpu.memref_slice %arg4[%mul3A_164, %dma_start3A_219] : memref<320000x256xf32, #tpu.memory_space<hbm>> -> memref<128x128xf32, #tpu.memory_space<hbm>>
        %dma_start3A_221 = arith.constant 0 : i32
        %dma_start3A_222 = tpu.memref_slice %arg4[%mul3A_164, %dma_start3A_221] : memref<320000x256xf32, #tpu.memory_space<hbm>> -> memref<128x128xf32, #tpu.memory_space<hbm>>
        %dma_start3A_223 = arith.constant 0 : i32
        %dma_start3A_224 = arith.constant 0 : i32
        %dma_start3A_225 = tpu.memref_slice %arg6[%dma_start3A_214, %dma_start3A_223, %dma_start3A_224] : memref<2x128x128xf32, #tpu.memory_space<vmem>> -> memref<1x128x128xf32, #tpu.memory_space<vmem>>
        %dma_start3A_226 = tpu.memref_squeeze %dma_start3A_225 : memref<1x128x128xf32, #tpu.memory_space<vmem>> -> memref<128x128xf32, #tpu.memory_space<vmem>>
        tpu.enqueue_dma source(%dma_start3A_226 : memref<128x128xf32, #tpu.memory_space<vmem>>) target(%dma_start3A_222 : memref<128x128xf32, #tpu.memory_space<hbm>>) target_semaphore(%arg12 : memref<!tpu.dma_semaphore, #tpu.memory_space<semaphore_mem>>)
        %dma_start3A_227 = arith.constant 0 : i32
        %dma_start3A_228 = arith.constant 0 : i32
        %dma_start3A_229 = arith.constant 0 : i32
        %dma_start3A_230 = tpu.memref_slice %arg7[%dma_start3A_227, %dma_start3A_228, %dma_start3A_229] : memref<2x128x128xf32, #tpu.memory_space<vmem>> -> memref<1x128x128xf32, #tpu.memory_space<vmem>>
        %dma_start3A_231 = tpu.memref_squeeze %dma_start3A_230 : memref<1x128x128xf32, #tpu.memory_space<vmem>> -> memref<128x128xf32, #tpu.memory_space<vmem>>
        %dma_start3A_232 = arith.constant 128 : i32
        %dma_start3A_233 = tpu.memref_slice %arg4[%mul3A_164, %dma_start3A_232] : memref<320000x256xf32, #tpu.memory_space<hbm>> -> memref<128x128xf32, #tpu.memory_space<hbm>>
        %dma_start3A_234 = arith.constant 128 : i32
        %dma_start3A_235 = tpu.memref_slice %arg4[%mul3A_164, %dma_start3A_234] : memref<320000x256xf32, #tpu.memory_space<hbm>> -> memref<128x128xf32, #tpu.memory_space<hbm>>
        %dma_start3A_236 = arith.constant 0 : i32
        %dma_start3A_237 = arith.constant 0 : i32
        %dma_start3A_238 = tpu.memref_slice %arg7[%dma_start3A_227, %dma_start3A_236, %dma_start3A_237] : memref<2x128x128xf32, #tpu.memory_space<vmem>> -> memref<1x128x128xf32, #tpu.memory_space<vmem>>
        %dma_start3A_239 = tpu.memref_squeeze %dma_start3A_238 : memref<1x128x128xf32, #tpu.memory_space<vmem>> -> memref<128x128xf32, #tpu.memory_space<vmem>>
        tpu.enqueue_dma source(%dma_start3A_239 : memref<128x128xf32, #tpu.memory_space<vmem>>) target(%dma_start3A_235 : memref<128x128xf32, #tpu.memory_space<hbm>>) target_semaphore(%arg12 : memref<!tpu.dma_semaphore, #tpu.memory_space<semaphore_mem>>)
      } else {
      }
      %add3A_153 = arith.constant 3 : i32
      %add3A_154 = arith.addi %add3A_122, %add3A_153 : i32
      %mul3A_155 = arith.constant 32 : i32
      %mul3A_156 = arith.muli %add3A_154, %mul3A_155 : i32
      %add3A_157 = arith.addi %mul3A_156, %add3A : i32
      %lt3A_158 = arith.constant 2500 : i32
      %lt3A_159 = arith.cmpi slt, %add3A_157, %lt3A_158 : i32
      %convert_element_type3A_160 = arith.extui %lt3A_159 : i1 to i32
      %cond3A_161 = arith.constant 0 : i32
      %cond3A_162 = arith.cmpi ne, %convert_element_type3A_160, %cond3A_161 : i32
      scf.if %cond3A_162 {
        %mul3A_163 = arith.constant 128 : i32
        %mul3A_164 = arith.muli %add3A_157, %mul3A_163 : i32
        %add3A_165 = arith.constant 64 : i32
        %add3A_166 = arith.addi %add3A_157, %add3A_165 : i32
        %lt3A_167 = arith.constant 2500 : i32
        %lt3A_168 = arith.cmpi slt, %add3A_166, %lt3A_167 : i32
        %convert_element_type3A_169 = arith.extui %lt3A_168 : i1 to i32
        %cond3A_170 = arith.constant 0 : i32
        %cond3A_171 = arith.cmpi ne, %convert_element_type3A_169, %cond3A_170 : i32
        scf.if %cond3A_171 {
          %add3A_240 = arith.constant 64 : i32
          %add3A_241 = arith.addi %add3A_157, %add3A_240 : i32
          %mul3A_242 = arith.constant 128 : i32
          %mul3A_243 = arith.muli %add3A_241, %mul3A_242 : i32
          %dma_start3A_244 = arith.constant 1 : i32
          %dma_start3A_245 = arith.constant 0 : i32
          %dma_start3A_246 = arith.constant 0 : i32
          %dma_start3A_247 = tpu.memref_slice %arg5[%dma_start3A_244, %dma_start3A_245, %dma_start3A_246] : memref<4x2x128xi32, #tpu.memory_space<vmem>> -> memref<1x2x128xi32, #tpu.memory_space<vmem>>
          %dma_start3A_248 = tpu.memref_squeeze %dma_start3A_247 : memref<1x2x128xi32, #tpu.memory_space<vmem>> -> memref<2x128xi32, #tpu.memory_space<vmem>>
          %dma_start3A_249 = arith.constant 0 : i32
          %dma_start3A_250 = tpu.memref_slice %arg3[%dma_start3A_249, %mul3A_243] : memref<2x320000xi32, #tpu.memory_space<hbm>> -> memref<2x128xi32, #tpu.memory_space<hbm>>
          %dma_start3A_251 = arith.constant 0 : i32
          %dma_start3A_252 = arith.constant 0 : i32
          %dma_start3A_253 = tpu.memref_slice %arg5[%dma_start3A_244, %dma_start3A_251, %dma_start3A_252] : memref<4x2x128xi32, #tpu.memory_space<vmem>> -> memref<1x2x128xi32, #tpu.memory_space<vmem>>
          %dma_start3A_254 = tpu.memref_squeeze %dma_start3A_253 : memref<1x2x128xi32, #tpu.memory_space<vmem>> -> memref<2x128xi32, #tpu.memory_space<vmem>>
          %dma_start3A_255 = arith.constant 0 : i32
          %dma_start3A_256 = tpu.memref_slice %arg3[%dma_start3A_255, %mul3A_243] : memref<2x320000xi32, #tpu.memory_space<hbm>> -> memref<2x128xi32, #tpu.memory_space<hbm>>
          tpu.enqueue_dma source(%dma_start3A_256 : memref<2x128xi32, #tpu.memory_space<hbm>>) target(%dma_start3A_254 : memref<2x128xi32, #tpu.memory_space<vmem>>) target_semaphore(%arg15 : memref<!tpu.dma_semaphore, #tpu.memory_space<semaphore_mem>>)
        } else {
        }
        %ge3A_172 = arith.constant 1 : i32
        %ge3A_173 = arith.cmpi sge, %add3A_154, %ge3A_172 : i32
        %convert_element_type3A_174 = arith.extui %ge3A_173 : i1 to i32
        %cond3A_175 = arith.constant 0 : i32
        %cond3A_176 = arith.cmpi ne, %convert_element_type3A_174, %cond3A_175 : i32
        scf.if %cond3A_176 {
          %dma_wait3A_240 = arith.constant 0 : i32
          %dma_wait3A_241 = arith.constant 0 : i32
          %dma_wait3A_242 = arith.constant 0 : i32
          %dma_wait3A_243 = tpu.memref_slice %arg6[%dma_wait3A_240, %dma_wait3A_241, %dma_wait3A_242] : memref<2x128x128xf32, #tpu.memory_space<vmem>> -> memref<1x128x128xf32, #tpu.memory_space<vmem>>
          %dma_wait3A_244 = tpu.memref_squeeze %dma_wait3A_243 : memref<1x128x128xf32, #tpu.memory_space<vmem>> -> memref<128x128xf32, #tpu.memory_space<vmem>>
          %dma_wait3A_245 = arith.constant 0 : i32
          %dma_wait3A_246 = arith.constant 0 : i32
          %dma_wait3A_247 = tpu.memref_slice %arg4[%dma_wait3A_245, %dma_wait3A_246] : memref<320000x256xf32, #tpu.memory_space<hbm>> -> memref<128x128xf32, #tpu.memory_space<hbm>>
          %dma_wait3A_248 = arith.constant 0 : i32
          %dma_wait3A_249 = arith.constant 0 : i32
          %dma_wait3A_250 = tpu.memref_slice %arg4[%dma_wait3A_248, %dma_wait3A_249] : memref<320000x256xf32, #tpu.memory_space<hbm>> -> memref<128x128xf32, #tpu.memory_space<hbm>>
          %dma_wait3A_251 = arith.constant 0 : i32
          %dma_wait3A_252 = arith.constant 0 : i32
          %dma_wait3A_253 = tpu.memref_slice %arg6[%dma_wait3A_240, %dma_wait3A_251, %dma_wait3A_252] : memref<2x128x128xf32, #tpu.memory_space<vmem>> -> memref<1x128x128xf32, #tpu.memory_space<vmem>>
          %dma_wait3A_254 = tpu.memref_squeeze %dma_wait3A_253 : memref<1x128x128xf32, #tpu.memory_space<vmem>> -> memref<128x128xf32, #tpu.memory_space<vmem>>
          tpu.wait_dma2 semaphore(%arg12 : memref<!tpu.dma_semaphore, #tpu.memory_space<semaphore_mem>>) src(%dma_wait3A_254 : memref<128x128xf32, #tpu.memory_space<vmem>>) dst(%dma_wait3A_250 : memref<128x128xf32, #tpu.memory_space<hbm>>)
          %dma_wait3A_255 = arith.constant 0 : i32
          %dma_wait3A_256 = arith.constant 0 : i32
          %dma_wait3A_257 = arith.constant 0 : i32
          %dma_wait3A_258 = tpu.memref_slice %arg6[%dma_wait3A_255, %dma_wait3A_256, %dma_wait3A_257] : memref<2x128x128xf32, #tpu.memory_space<vmem>> -> memref<1x128x128xf32, #tpu.memory_space<vmem>>
          %dma_wait3A_259 = tpu.memref_squeeze %dma_wait3A_258 : memref<1x128x128xf32, #tpu.memory_space<vmem>> -> memref<128x128xf32, #tpu.memory_space<vmem>>
          %dma_wait3A_260 = arith.constant 0 : i32
          %dma_wait3A_261 = arith.constant 128 : i32
          %dma_wait3A_262 = tpu.memref_slice %arg4[%dma_wait3A_260, %dma_wait3A_261] : memref<320000x256xf32, #tpu.memory_space<hbm>> -> memref<128x128xf32, #tpu.memory_space<hbm>>
          %dma_wait3A_263 = arith.constant 0 : i32
          %dma_wait3A_264 = arith.constant 128 : i32
          %dma_wait3A_265 = tpu.memref_slice %arg4[%dma_wait3A_263, %dma_wait3A_264] : memref<320000x256xf32, #tpu.memory_space<hbm>> -> memref<128x128xf32, #tpu.memory_space<hbm>>
          %dma_wait3A_266 = arith.constant 0 : i32
          %dma_wait3A_267 = arith.constant 0 : i32
          %dma_wait3A_268 = tpu.memref_slice %arg6[%dma_wait3A_255, %dma_wait3A_266, %dma_wait3A_267] : memref<2x128x128xf32, #tpu.memory_space<vmem>> -> memref<1x128x128xf32, #tpu.memory_space<vmem>>
          %dma_wait3A_269 = tpu.memref_squeeze %dma_wait3A_268 : memref<1x128x128xf32, #tpu.memory_space<vmem>> -> memref<128x128xf32, #tpu.memory_space<vmem>>
          tpu.wait_dma2 semaphore(%arg12 : memref<!tpu.dma_semaphore, #tpu.memory_space<semaphore_mem>>) src(%dma_wait3A_269 : memref<128x128xf32, #tpu.memory_space<vmem>>) dst(%dma_wait3A_265 : memref<128x128xf32, #tpu.memory_space<hbm>>)
        } else {
        }
        %add3A_177 = arith.constant 32 : i32
        %add3A_178 = arith.addi %add3A_157, %add3A_177 : i32
        %lt3A_179 = arith.constant 2500 : i32
        %lt3A_180 = arith.cmpi slt, %add3A_178, %lt3A_179 : i32
        %convert_element_type3A_181 = arith.extui %lt3A_180 : i1 to i32
        %cond3A_182 = arith.constant 0 : i32
        %cond3A_183 = arith.cmpi ne, %convert_element_type3A_181, %cond3A_182 : i32
        scf.if %cond3A_183 {
          %dma_wait3A_240 = arith.constant 0 : i32
          %dma_wait3A_241 = arith.constant 0 : i32
          %dma_wait3A_242 = arith.constant 0 : i32
          %dma_wait3A_243 = tpu.memref_slice %arg5[%dma_wait3A_240, %dma_wait3A_241, %dma_wait3A_242] : memref<4x2x128xi32, #tpu.memory_space<vmem>> -> memref<1x2x128xi32, #tpu.memory_space<vmem>>
          %dma_wait3A_244 = tpu.memref_squeeze %dma_wait3A_243 : memref<1x2x128xi32, #tpu.memory_space<vmem>> -> memref<2x128xi32, #tpu.memory_space<vmem>>
          %dma_wait3A_245 = arith.constant 0 : i32
          %dma_wait3A_246 = arith.constant 0 : i32
          %dma_wait3A_247 = tpu.memref_slice %arg3[%dma_wait3A_245, %dma_wait3A_246] : memref<2x320000xi32, #tpu.memory_space<hbm>> -> memref<2x128xi32, #tpu.memory_space<hbm>>
          %dma_wait3A_248 = arith.constant 0 : i32
          %dma_wait3A_249 = arith.constant 0 : i32
          %dma_wait3A_250 = tpu.memref_slice %arg5[%dma_wait3A_240, %dma_wait3A_248, %dma_wait3A_249] : memref<4x2x128xi32, #tpu.memory_space<vmem>> -> memref<1x2x128xi32, #tpu.memory_space<vmem>>
          %dma_wait3A_251 = tpu.memref_squeeze %dma_wait3A_250 : memref<1x2x128xi32, #tpu.memory_space<vmem>> -> memref<2x128xi32, #tpu.memory_space<vmem>>
          %dma_wait3A_252 = arith.constant 0 : i32
          %dma_wait3A_253 = arith.constant 0 : i32
          %dma_wait3A_254 = tpu.memref_slice %arg3[%dma_wait3A_252, %dma_wait3A_253] : memref<2x320000xi32, #tpu.memory_space<hbm>> -> memref<2x128xi32, #tpu.memory_space<hbm>>
          tpu.wait_dma2 semaphore(%arg14 : memref<!tpu.dma_semaphore, #tpu.memory_space<semaphore_mem>>) src(%dma_wait3A_254 : memref<2x128xi32, #tpu.memory_space<hbm>>) dst(%dma_wait3A_251 : memref<2x128xi32, #tpu.memory_space<vmem>>)
          %dma_start3A_255 = arith.constant 0 : i32
          %dma_start3A_256 = arith.constant 0 : i32
          %dma_start3A_257 = arith.constant 0 : i32
          %dma_start3A_258 = arith.constant 0 : i32
          %dma_start3A_259 = arith.constant 0 : i32
          %dma_start3A_260 = tpu.memref_slice %arg6[%dma_start3A_257, %dma_start3A_258, %dma_start3A_259] : memref<2x128x128xf32, #tpu.memory_space<vmem>> -> memref<1x128x128xf32, #tpu.memory_space<vmem>>
          %dma_start3A_261 = tpu.memref_squeeze %dma_start3A_260 : memref<1x128x128xf32, #tpu.memory_space<vmem>> -> memref<128x128xf32, #tpu.memory_space<vmem>>
          %dma_start3A_262 = arith.constant 0 : i32
          %dma_start3A_263 = arith.constant 0 : i32
          %dma_start3A_264 = tpu.memref_slice %arg5[%dma_start3A_255, %dma_start3A_262, %dma_start3A_263] : memref<4x2x128xi32, #tpu.memory_space<vmem>> -> memref<1x2x128xi32, #tpu.memory_space<vmem>>
          %dma_start3A_265 = tpu.memref_squeeze %dma_start3A_264 : memref<1x2x128xi32, #tpu.memory_space<vmem>> -> memref<2x128xi32, #tpu.memory_space<vmem>>
          %dma_start3A_266 = arith.constant 0 : i32
          %dma_start3A_267 = tpu.memref_slice %dma_start3A_265[%dma_start3A_256, %dma_start3A_266] : memref<2x128xi32, #tpu.memory_space<vmem>> -> memref<1x128xi32, #tpu.memory_space<vmem>>
          %dma_start3A_268 = tpu.memref_squeeze %dma_start3A_267 : memref<1x128xi32, #tpu.memory_space<vmem>> -> memref<128xi32, #tpu.memory_space<vmem>>
          %dma_start3A_269 = arith.constant 0 : i32
          %dma_start3A_270 = arith.constant 0 : i32
          %dma_start3A_271 = tpu.memref_slice %arg2[%dma_start3A_269, %dma_start3A_270] : memref<10000x128xf32, #tpu.memory_space<hbm>> -> memref<10000x128xf32, #tpu.memory_space<hbm>>
          tpu.enqueue_indirect_dma source(%dma_start3A_271 : memref<10000x128xf32, #tpu.memory_space<hbm>>) target(%dma_start3A_261 : memref<128x128xf32, #tpu.memory_space<vmem>>) offsets(%dma_start3A_268 : memref<128xi32, #tpu.memory_space<vmem>>) semaphore(%arg8 : memref<!tpu.dma_semaphore, #tpu.memory_space<semaphore_mem>>)
          %dma_start3A_272 = arith.constant 0 : i32
          %dma_start3A_273 = arith.constant 1 : i32
          %dma_start3A_274 = arith.constant 0 : i32
          %dma_start3A_275 = arith.constant 0 : i32
          %dma_start3A_276 = arith.constant 0 : i32
          %dma_start3A_277 = tpu.memref_slice %arg7[%dma_start3A_274, %dma_start3A_275, %dma_start3A_276] : memref<2x128x128xf32, #tpu.memory_space<vmem>> -> memref<1x128x128xf32, #tpu.memory_space<vmem>>
          %dma_start3A_278 = tpu.memref_squeeze %dma_start3A_277 : memref<1x128x128xf32, #tpu.memory_space<vmem>> -> memref<128x128xf32, #tpu.memory_space<vmem>>
          %dma_start3A_279 = arith.constant 0 : i32
          %dma_start3A_280 = arith.constant 0 : i32
          %dma_start3A_281 = tpu.memref_slice %arg5[%dma_start3A_272, %dma_start3A_279, %dma_start3A_280] : memref<4x2x128xi32, #tpu.memory_space<vmem>> -> memref<1x2x128xi32, #tpu.memory_space<vmem>>
          %dma_start3A_282 = tpu.memref_squeeze %dma_start3A_281 : memref<1x2x128xi32, #tpu.memory_space<vmem>> -> memref<2x128xi32, #tpu.memory_space<vmem>>
          %dma_start3A_283 = arith.constant 0 : i32
          %dma_start3A_284 = tpu.memref_slice %dma_start3A_282[%dma_start3A_273, %dma_start3A_283] : memref<2x128xi32, #tpu.memory_space<vmem>> -> memref<1x128xi32, #tpu.memory_space<vmem>>
          %dma_start3A_285 = tpu.memref_squeeze %dma_start3A_284 : memref<1x128xi32, #tpu.memory_space<vmem>> -> memref<128xi32, #tpu.memory_space<vmem>>
          %dma_start3A_286 = arith.constant 0 : i32
          %dma_start3A_287 = arith.constant 0 : i32
          %dma_start3A_288 = tpu.memref_slice %arg2[%dma_start3A_286, %dma_start3A_287] : memref<10000x128xf32, #tpu.memory_space<hbm>> -> memref<10000x128xf32, #tpu.memory_space<hbm>>
          tpu.enqueue_indirect_dma source(%dma_start3A_288 : memref<10000x128xf32, #tpu.memory_space<hbm>>) target(%dma_start3A_278 : memref<128x128xf32, #tpu.memory_space<vmem>>) offsets(%dma_start3A_285 : memref<128xi32, #tpu.memory_space<vmem>>) semaphore(%arg10 : memref<!tpu.dma_semaphore, #tpu.memory_space<semaphore_mem>>)
        } else {
        }
        %dma_wait3A_184 = arith.constant 1 : i32
        %dma_wait3A_185 = arith.constant 0 : i32
        %dma_wait3A_186 = arith.constant 0 : i32
        %dma_wait3A_187 = tpu.memref_slice %arg6[%dma_wait3A_184, %dma_wait3A_185, %dma_wait3A_186] : memref<2x128x128xf32, #tpu.memory_space<vmem>> -> memref<1x128x128xf32, #tpu.memory_space<vmem>>
        %dma_wait3A_188 = tpu.memref_squeeze %dma_wait3A_187 : memref<1x128x128xf32, #tpu.memory_space<vmem>> -> memref<128x128xf32, #tpu.memory_space<vmem>>
        %dma_wait3A_189 = arith.constant 0 : i32
        %dma_wait3A_190 = arith.constant 0 : i32
        %dma_wait3A_191 = tpu.memref_slice %arg2[%dma_wait3A_189, %dma_wait3A_190] : memref<10000x128xf32, #tpu.memory_space<hbm>> -> memref<128x128xf32, #tpu.memory_space<hbm>>
        %dma_wait3A_192 = arith.constant 0 : i32
        %dma_wait3A_193 = arith.constant 0 : i32
        %dma_wait3A_194 = tpu.memref_slice %arg6[%dma_wait3A_184, %dma_wait3A_192, %dma_wait3A_193] : memref<2x128x128xf32, #tpu.memory_space<vmem>> -> memref<1x128x128xf32, #tpu.memory_space<vmem>>
        %dma_wait3A_195 = tpu.memref_squeeze %dma_wait3A_194 : memref<1x128x128xf32, #tpu.memory_space<vmem>> -> memref<128x128xf32, #tpu.memory_space<vmem>>
        %dma_wait3A_196 = arith.constant 0 : i32
        %dma_wait3A_197 = arith.constant 0 : i32
        %dma_wait3A_198 = tpu.memref_slice %arg2[%dma_wait3A_196, %dma_wait3A_197] : memref<10000x128xf32, #tpu.memory_space<hbm>> -> memref<128x128xf32, #tpu.memory_space<hbm>>
        tpu.wait_dma2 semaphore(%arg9 : memref<!tpu.dma_semaphore, #tpu.memory_space<semaphore_mem>>) src(%dma_wait3A_198 : memref<128x128xf32, #tpu.memory_space<hbm>>) dst(%dma_wait3A_195 : memref<128x128xf32, #tpu.memory_space<vmem>>)
        %dma_wait3A_199 = arith.constant 1 : i32
        %dma_wait3A_200 = arith.constant 0 : i32
        %dma_wait3A_201 = arith.constant 0 : i32
        %dma_wait3A_202 = tpu.memref_slice %arg7[%dma_wait3A_199, %dma_wait3A_200, %dma_wait3A_201] : memref<2x128x128xf32, #tpu.memory_space<vmem>> -> memref<1x128x128xf32, #tpu.memory_space<vmem>>
        %dma_wait3A_203 = tpu.memref_squeeze %dma_wait3A_202 : memref<1x128x128xf32, #tpu.memory_space<vmem>> -> memref<128x128xf32, #tpu.memory_space<vmem>>
        %dma_wait3A_204 = arith.constant 0 : i32
        %dma_wait3A_205 = arith.constant 0 : i32
        %dma_wait3A_206 = tpu.memref_slice %arg2[%dma_wait3A_204, %dma_wait3A_205] : memref<10000x128xf32, #tpu.memory_space<hbm>> -> memref<128x128xf32, #tpu.memory_space<hbm>>
        %dma_wait3A_207 = arith.constant 0 : i32
        %dma_wait3A_208 = arith.constant 0 : i32
        %dma_wait3A_209 = tpu.memref_slice %arg7[%dma_wait3A_199, %dma_wait3A_207, %dma_wait3A_208] : memref<2x128x128xf32, #tpu.memory_space<vmem>> -> memref<1x128x128xf32, #tpu.memory_space<vmem>>
        %dma_wait3A_210 = tpu.memref_squeeze %dma_wait3A_209 : memref<1x128x128xf32, #tpu.memory_space<vmem>> -> memref<128x128xf32, #tpu.memory_space<vmem>>
        %dma_wait3A_211 = arith.constant 0 : i32
        %dma_wait3A_212 = arith.constant 0 : i32
        %dma_wait3A_213 = tpu.memref_slice %arg2[%dma_wait3A_211, %dma_wait3A_212] : memref<10000x128xf32, #tpu.memory_space<hbm>> -> memref<128x128xf32, #tpu.memory_space<hbm>>
        tpu.wait_dma2 semaphore(%arg11 : memref<!tpu.dma_semaphore, #tpu.memory_space<semaphore_mem>>) src(%dma_wait3A_213 : memref<128x128xf32, #tpu.memory_space<hbm>>) dst(%dma_wait3A_210 : memref<128x128xf32, #tpu.memory_space<vmem>>)
        %dma_start3A_214 = arith.constant 1 : i32
        %dma_start3A_215 = arith.constant 0 : i32
        %dma_start3A_216 = arith.constant 0 : i32
        %dma_start3A_217 = tpu.memref_slice %arg6[%dma_start3A_214, %dma_start3A_215, %dma_start3A_216] : memref<2x128x128xf32, #tpu.memory_space<vmem>> -> memref<1x128x128xf32, #tpu.memory_space<vmem>>
        %dma_start3A_218 = tpu.memref_squeeze %dma_start3A_217 : memref<1x128x128xf32, #tpu.memory_space<vmem>> -> memref<128x128xf32, #tpu.memory_space<vmem>>
        %dma_start3A_219 = arith.constant 0 : i32
        %dma_start3A_220 = tpu.memref_slice %arg4[%mul3A_164, %dma_start3A_219] : memref<320000x256xf32, #tpu.memory_space<hbm>> -> memref<128x128xf32, #tpu.memory_space<hbm>>
        %dma_start3A_221 = arith.constant 0 : i32
        %dma_start3A_222 = tpu.memref_slice %arg4[%mul3A_164, %dma_start3A_221] : memref<320000x256xf32, #tpu.memory_space<hbm>> -> memref<128x128xf32, #tpu.memory_space<hbm>>
        %dma_start3A_223 = arith.constant 0 : i32
        %dma_start3A_224 = arith.constant 0 : i32
        %dma_start3A_225 = tpu.memref_slice %arg6[%dma_start3A_214, %dma_start3A_223, %dma_start3A_224] : memref<2x128x128xf32, #tpu.memory_space<vmem>> -> memref<1x128x128xf32, #tpu.memory_space<vmem>>
        %dma_start3A_226 = tpu.memref_squeeze %dma_start3A_225 : memref<1x128x128xf32, #tpu.memory_space<vmem>> -> memref<128x128xf32, #tpu.memory_space<vmem>>
        tpu.enqueue_dma source(%dma_start3A_226 : memref<128x128xf32, #tpu.memory_space<vmem>>) target(%dma_start3A_222 : memref<128x128xf32, #tpu.memory_space<hbm>>) target_semaphore(%arg13 : memref<!tpu.dma_semaphore, #tpu.memory_space<semaphore_mem>>)
        %dma_start3A_227 = arith.constant 1 : i32
        %dma_start3A_228 = arith.constant 0 : i32
        %dma_start3A_229 = arith.constant 0 : i32
        %dma_start3A_230 = tpu.memref_slice %arg7[%dma_start3A_227, %dma_start3A_228, %dma_start3A_229] : memref<2x128x128xf32, #tpu.memory_space<vmem>> -> memref<1x128x128xf32, #tpu.memory_space<vmem>>
        %dma_start3A_231 = tpu.memref_squeeze %dma_start3A_230 : memref<1x128x128xf32, #tpu.memory_space<vmem>> -> memref<128x128xf32, #tpu.memory_space<vmem>>
        %dma_start3A_232 = arith.constant 128 : i32
        %dma_start3A_233 = tpu.memref_slice %arg4[%mul3A_164, %dma_start3A_232] : memref<320000x256xf32, #tpu.memory_space<hbm>> -> memref<128x128xf32, #tpu.memory_space<hbm>>
        %dma_start3A_234 = arith.constant 128 : i32
        %dma_start3A_235 = tpu.memref_slice %arg4[%mul3A_164, %dma_start3A_234] : memref<320000x256xf32, #tpu.memory_space<hbm>> -> memref<128x128xf32, #tpu.memory_space<hbm>>
        %dma_start3A_236 = arith.constant 0 : i32
        %dma_start3A_237 = arith.constant 0 : i32
        %dma_start3A_238 = tpu.memref_slice %arg7[%dma_start3A_227, %dma_start3A_236, %dma_start3A_237] : memref<2x128x128xf32, #tpu.memory_space<vmem>> -> memref<1x128x128xf32, #tpu.memory_space<vmem>>
        %dma_start3A_239 = tpu.memref_squeeze %dma_start3A_238 : memref<1x128x128xf32, #tpu.memory_space<vmem>> -> memref<128x128xf32, #tpu.memory_space<vmem>>
        tpu.enqueue_dma source(%dma_start3A_239 : memref<128x128xf32, #tpu.memory_space<vmem>>) target(%dma_start3A_235 : memref<128x128xf32, #tpu.memory_space<hbm>>) target_semaphore(%arg13 : memref<!tpu.dma_semaphore, #tpu.memory_space<semaphore_mem>>)
      } else {
      }
    }
    %scan3A_83 = arith.constant 20 : i32
    %sub3A = arith.constant 2499 : i32
    %sub3A_84 = arith.subi %sub3A, %add3A : i32
    %jit3A = arith.constant 32 : i32
    %div3A = arith.divsi %sub3A_84, %jit3A : i32
    %sign3A = arith.constant 0 : i32
    %sign3A_85 = arith.cmpi sgt, %sub3A_84, %sign3A : i32
    %sign3A_86 = arith.extui %sign3A_85 : i1 to i32
    %sign3A_87 = arith.constant 0 : i32
    %sign3A_88 = arith.cmpi slt, %sub3A_84, %sign3A_87 : i32
    %sign3A_89 = arith.extui %sign3A_88 : i1 to i32
    %sign3A_90 = arith.subi %sign3A_86, %sign3A_89 : i32
    %sign3A_91 = arith.constant 0 : i32
    %sign3A_92 = arith.cmpi sgt, %jit3A, %sign3A_91 : i32
    %sign3A_93 = arith.extui %sign3A_92 : i1 to i32
    %sign3A_94 = arith.constant 0 : i32
    %sign3A_95 = arith.cmpi slt, %jit3A, %sign3A_94 : i32
    %sign3A_96 = arith.extui %sign3A_95 : i1 to i32
    %sign3A_97 = arith.subi %sign3A_93, %sign3A_96 : i32
    %ne3A = arith.cmpi ne, %sign3A_90, %sign3A_97 : i32
    %rem3A = arith.remsi %sub3A_84, %jit3A : i32
    %ne3A_98 = arith.constant 0 : i32
    %ne3A_99 = arith.cmpi ne, %rem3A, %ne3A_98 : i32
    %and3A = arith.andi %ne3A, %ne3A_99 : i1
    %sub3A_100 = arith.constant 1 : i32
    %sub3A_101 = arith.subi %div3A, %sub3A_100 : i32
    %select_n3A = arith.select %and3A, %sub3A_101, %div3A : i32
    %jit3A_102 = arith.constant 2 : i32
    %eq3A = arith.constant 0 : i32
    %eq3A_103 = arith.cmpi eq, %jit3A_102, %eq3A : i32
    %jit3A_104 = arith.constant 1 : i32
    %select_n3A_105 = arith.select %eq3A_103, %jit3A_104, %jit3A_102 : i32
    %rem3A_106 = arith.remsi %select_n3A, %select_n3A_105 : i32
    %ne3A_107 = arith.constant 0 : i32
    %ne3A_108 = arith.cmpi ne, %rem3A_106, %ne3A_107 : i32
    %lt3A = arith.constant 0 : i32
    %lt3A_109 = arith.cmpi slt, %rem3A_106, %lt3A : i32
    %lt3A_110 = arith.constant 0 : i32
    %lt3A_111 = arith.cmpi slt, %select_n3A_105, %lt3A_110 : i32
    %ne3A_112 = arith.xori %lt3A_109, %lt3A_111 : i1
    %and3A_113 = arith.andi %ne3A_112, %ne3A_108 : i1
    %add3A_114 = arith.addi %rem3A_106, %select_n3A_105 : i32
    %select_n3A_115 = arith.select %and3A_113, %add3A_114, %rem3A_106 : i32
    %ge3A = arith.constant 0 : i32
    %ge3A_116 = arith.cmpi sge, %select_n3A, %ge3A : i32
    %convert_element_type3A = arith.extui %ge3A_116 : i1 to i32
    %cond3A = arith.constant 0 : i32
    %cond3A_117 = arith.cmpi ne, %convert_element_type3A, %cond3A : i32
    scf.if %cond3A_117 {
      %eq3A_118 = arith.constant 0 : i32
      %eq3A_119 = arith.cmpi eq, %select_n3A_115, %eq3A_118 : i32
      %convert_element_type3A_120 = arith.extui %eq3A_119 : i1 to i32
      %cond3A_121 = arith.constant 0 : i32
      %cond3A_122 = arith.cmpi ne, %convert_element_type3A_120, %cond3A_121 : i32
      scf.if %cond3A_122 {
        %dma_wait3A_128 = arith.constant 0 : i32
        %dma_wait3A_129 = arith.constant 0 : i32
        %dma_wait3A_130 = arith.constant 0 : i32
        %dma_wait3A_131 = tpu.memref_slice %arg6[%dma_wait3A_128, %dma_wait3A_129, %dma_wait3A_130] : memref<2x128x128xf32, #tpu.memory_space<vmem>> -> memref<1x128x128xf32, #tpu.memory_space<vmem>>
        %dma_wait3A_132 = tpu.memref_squeeze %dma_wait3A_131 : memref<1x128x128xf32, #tpu.memory_space<vmem>> -> memref<128x128xf32, #tpu.memory_space<vmem>>
        %dma_wait3A_133 = arith.constant 0 : i32
        %dma_wait3A_134 = arith.constant 0 : i32
        %dma_wait3A_135 = tpu.memref_slice %arg4[%dma_wait3A_133, %dma_wait3A_134] : memref<320000x256xf32, #tpu.memory_space<hbm>> -> memref<128x128xf32, #tpu.memory_space<hbm>>
        %dma_wait3A_136 = arith.constant 0 : i32
        %dma_wait3A_137 = arith.constant 0 : i32
        %dma_wait3A_138 = tpu.memref_slice %arg4[%dma_wait3A_136, %dma_wait3A_137] : memref<320000x256xf32, #tpu.memory_space<hbm>> -> memref<128x128xf32, #tpu.memory_space<hbm>>
        %dma_wait3A_139 = arith.constant 0 : i32
        %dma_wait3A_140 = arith.constant 0 : i32
        %dma_wait3A_141 = tpu.memref_slice %arg6[%dma_wait3A_128, %dma_wait3A_139, %dma_wait3A_140] : memref<2x128x128xf32, #tpu.memory_space<vmem>> -> memref<1x128x128xf32, #tpu.memory_space<vmem>>
        %dma_wait3A_142 = tpu.memref_squeeze %dma_wait3A_141 : memref<1x128x128xf32, #tpu.memory_space<vmem>> -> memref<128x128xf32, #tpu.memory_space<vmem>>
        tpu.wait_dma2 semaphore(%arg12 : memref<!tpu.dma_semaphore, #tpu.memory_space<semaphore_mem>>) src(%dma_wait3A_142 : memref<128x128xf32, #tpu.memory_space<vmem>>) dst(%dma_wait3A_138 : memref<128x128xf32, #tpu.memory_space<hbm>>)
        %dma_wait3A_143 = arith.constant 0 : i32
        %dma_wait3A_144 = arith.constant 0 : i32
        %dma_wait3A_145 = arith.constant 0 : i32
        %dma_wait3A_146 = tpu.memref_slice %arg7[%dma_wait3A_143, %dma_wait3A_144, %dma_wait3A_145] : memref<2x128x128xf32, #tpu.memory_space<vmem>> -> memref<1x128x128xf32, #tpu.memory_space<vmem>>
        %dma_wait3A_147 = tpu.memref_squeeze %dma_wait3A_146 : memref<1x128x128xf32, #tpu.memory_space<vmem>> -> memref<128x128xf32, #tpu.memory_space<vmem>>
        %dma_wait3A_148 = arith.constant 0 : i32
        %dma_wait3A_149 = arith.constant 128 : i32
        %dma_wait3A_150 = tpu.memref_slice %arg4[%dma_wait3A_148, %dma_wait3A_149] : memref<320000x256xf32, #tpu.memory_space<hbm>> -> memref<128x128xf32, #tpu.memory_space<hbm>>
        %dma_wait3A_151 = arith.constant 0 : i32
        %dma_wait3A_152 = arith.constant 128 : i32
        %dma_wait3A_153 = tpu.memref_slice %arg4[%dma_wait3A_151, %dma_wait3A_152] : memref<320000x256xf32, #tpu.memory_space<hbm>> -> memref<128x128xf32, #tpu.memory_space<hbm>>
        %dma_wait3A_154 = arith.constant 0 : i32
        %dma_wait3A_155 = arith.constant 0 : i32
        %dma_wait3A_156 = tpu.memref_slice %arg7[%dma_wait3A_143, %dma_wait3A_154, %dma_wait3A_155] : memref<2x128x128xf32, #tpu.memory_space<vmem>> -> memref<1x128x128xf32, #tpu.memory_space<vmem>>
        %dma_wait3A_157 = tpu.memref_squeeze %dma_wait3A_156 : memref<1x128x128xf32, #tpu.memory_space<vmem>> -> memref<128x128xf32, #tpu.memory_space<vmem>>
        tpu.wait_dma2 semaphore(%arg12 : memref<!tpu.dma_semaphore, #tpu.memory_space<semaphore_mem>>) src(%dma_wait3A_157 : memref<128x128xf32, #tpu.memory_space<vmem>>) dst(%dma_wait3A_153 : memref<128x128xf32, #tpu.memory_space<hbm>>)
      } else {
      }
      %eq3A_123 = arith.constant 1 : i32
      %eq3A_124 = arith.cmpi eq, %select_n3A_115, %eq3A_123 : i32
      %convert_element_type3A_125 = arith.extui %eq3A_124 : i1 to i32
      %cond3A_126 = arith.constant 0 : i32
      %cond3A_127 = arith.cmpi ne, %convert_element_type3A_125, %cond3A_126 : i32
      scf.if %cond3A_127 {
        %dma_wait3A_128 = arith.constant 1 : i32
        %dma_wait3A_129 = arith.constant 0 : i32
        %dma_wait3A_130 = arith.constant 0 : i32
        %dma_wait3A_131 = tpu.memref_slice %arg6[%dma_wait3A_128, %dma_wait3A_129, %dma_wait3A_130] : memref<2x128x128xf32, #tpu.memory_space<vmem>> -> memref<1x128x128xf32, #tpu.memory_space<vmem>>
        %dma_wait3A_132 = tpu.memref_squeeze %dma_wait3A_131 : memref<1x128x128xf32, #tpu.memory_space<vmem>> -> memref<128x128xf32, #tpu.memory_space<vmem>>
        %dma_wait3A_133 = arith.constant 0 : i32
        %dma_wait3A_134 = arith.constant 0 : i32
        %dma_wait3A_135 = tpu.memref_slice %arg4[%dma_wait3A_133, %dma_wait3A_134] : memref<320000x256xf32, #tpu.memory_space<hbm>> -> memref<128x128xf32, #tpu.memory_space<hbm>>
        %dma_wait3A_136 = arith.constant 0 : i32
        %dma_wait3A_137 = arith.constant 0 : i32
        %dma_wait3A_138 = tpu.memref_slice %arg4[%dma_wait3A_136, %dma_wait3A_137] : memref<320000x256xf32, #tpu.memory_space<hbm>> -> memref<128x128xf32, #tpu.memory_space<hbm>>
        %dma_wait3A_139 = arith.constant 0 : i32
        %dma_wait3A_140 = arith.constant 0 : i32
        %dma_wait3A_141 = tpu.memref_slice %arg6[%dma_wait3A_128, %dma_wait3A_139, %dma_wait3A_140] : memref<2x128x128xf32, #tpu.memory_space<vmem>> -> memref<1x128x128xf32, #tpu.memory_space<vmem>>
        %dma_wait3A_142 = tpu.memref_squeeze %dma_wait3A_141 : memref<1x128x128xf32, #tpu.memory_space<vmem>> -> memref<128x128xf32, #tpu.memory_space<vmem>>
        tpu.wait_dma2 semaphore(%arg13 : memref<!tpu.dma_semaphore, #tpu.memory_space<semaphore_mem>>) src(%dma_wait3A_142 : memref<128x128xf32, #tpu.memory_space<vmem>>) dst(%dma_wait3A_138 : memref<128x128xf32, #tpu.memory_space<hbm>>)
        %dma_wait3A_143 = arith.constant 1 : i32
        %dma_wait3A_144 = arith.constant 0 : i32
        %dma_wait3A_145 = arith.constant 0 : i32
        %dma_wait3A_146 = tpu.memref_slice %arg7[%dma_wait3A_143, %dma_wait3A_144, %dma_wait3A_145] : memref<2x128x128xf32, #tpu.memory_space<vmem>> -> memref<1x128x128xf32, #tpu.memory_space<vmem>>
        %dma_wait3A_147 = tpu.memref_squeeze %dma_wait3A_146 : memref<1x128x128xf32, #tpu.memory_space<vmem>> -> memref<128x128xf32, #tpu.memory_space<vmem>>
        %dma_wait3A_148 = arith.constant 0 : i32
        %dma_wait3A_149 = arith.constant 128 : i32
        %dma_wait3A_150 = tpu.memref_slice %arg4[%dma_wait3A_148, %dma_wait3A_149] : memref<320000x256xf32, #tpu.memory_space<hbm>> -> memref<128x128xf32, #tpu.memory_space<hbm>>
        %dma_wait3A_151 = arith.constant 0 : i32
        %dma_wait3A_152 = arith.constant 128 : i32
        %dma_wait3A_153 = tpu.memref_slice %arg4[%dma_wait3A_151, %dma_wait3A_152] : memref<320000x256xf32, #tpu.memory_space<hbm>> -> memref<128x128xf32, #tpu.memory_space<hbm>>
        %dma_wait3A_154 = arith.constant 0 : i32
        %dma_wait3A_155 = arith.constant 0 : i32
        %dma_wait3A_156 = tpu.memref_slice %arg7[%dma_wait3A_143, %dma_wait3A_154, %dma_wait3A_155] : memref<2x128x128xf32, #tpu.memory_space<vmem>> -> memref<1x128x128xf32, #tpu.memory_space<vmem>>
        %dma_wait3A_157 = tpu.memref_squeeze %dma_wait3A_156 : memref<1x128x128xf32, #tpu.memory_space<vmem>> -> memref<128x128xf32, #tpu.memory_space<vmem>>
        tpu.wait_dma2 semaphore(%arg13 : memref<!tpu.dma_semaphore, #tpu.memory_space<semaphore_mem>>) src(%dma_wait3A_157 : memref<128x128xf32, #tpu.memory_space<vmem>>) dst(%dma_wait3A_153 : memref<128x128xf32, #tpu.memory_space<hbm>>)
      } else {
      }
    } else {
    }
    return
  }
}

</mosaic_0001>

<sc_bundles>
// kernel: kernel.3.cloned.1.call-start
scs
__scs_entry_jumppad:
0x0: {  	(pc) =	sbr.rel $0x88, $3  }
0x1: {  	(tag) =	ssettag $0x0;
	lr =	simm.s32 $0x1  }
0x2: {  	[smem:$0x3F9F] =	sst lr;
	_ =	strace $0xD0000000  }
0x3: {  	_ = 	snop  }
0x4: {  	_ = 	snop  }
0x5: {  	_ = 	snop  }
0x6: {  	_ = 	snop  }
0x7: {  	_ = 	snop  }
__scs_overlays_trampoline_lowered:
0x8: {  	[smem:$0x3FAE] =	sst s0  }
0x9: {  	[smem:$0x3FAF] =	sst s1  }
0xa: {  	[smem:$0x3FB0] =	sst s2  }
0xb: {  	[smem:$0x3FB1] =	sst s3  }
0xc: {  	[smem:$0x3FB2] =	sst s4  }
0xd: {  	[smem:$0x3FB3] =	sst s5  }
0xe: {  	[smem:$0x3FB4] =	sst s6  }
0xf: {  	[smem:$0x3FB5] =	sst s7  }
0x10: {  	[smem:$0x3FB6] =	sst s8  }
0x11: {  	[smem:$0x3FB7] =	sst s9;
	s0 =	simm.s32 @!p0 $0x0  }
0x12: {  	s1 =	sld [smem:$0x3F9D];
	s0 =	simm.s32 @p0 $0x1  }
0x13: {  	[smem:$0x3FB8] =	sst s0;
	s0 =	simm.s32 @!p1 $0x0  }
0x14: {  	s2 =	sld [smem:$0x3F9C];
	s0 =	simm.s32 @p1 $0x1  }
0x15: {  	[smem:$0x3FB9] =	sst s0;
	s0 =	simm.s32 @!p2 $0x0  }
0x16: {  	s3 =	sld [smem:$0x3FDB];
	s0 =	simm.s32 @p2 $0x1  }
0x17: {  	s4 =	simm.s32 $0x1BF5;
	[smem:$0x3FBB] =	sst s0  }
0x18: {  	s0 =	sld [smem:$0x3F9E];
	_ =	swait.ge [sflag:s4], $0x0  }
0x19: {  	s7 =	sld [smem:$0x3F9F]  }
0x1a: {  	s8 =	sadd.s32 $0xFFFFE003, lr  }
0x1b: {  	s9 =	sadd.s32 $0xFFFFFEF7, lr;
	s5 =	simm.s32 $0xFFFFFFFF;
	p2 =	slt.u32 s8, $0xFFFFF086  }
0x1c: {  	p1 =	slt.u32 s9, $0xF7A;
	s5 =	simm.s32 @!p2 $0x0  }
0x1d: {  	s5 =	simm.s32 @p1 $0x1;
	p0 =	seq.s32 s7, s2  }
0x1e: {  	s7 =	smul.u32 @!p0 $0xF7A, s2;
	p2 =	seq.s32 @!p0 s5, $0x0  }
0x1f: {  	s9 =	smul.u32 $0xF7A, s1;
	s8 =	simm.s32 @!p0 $0x1BF5;
	p2 =	por !p2, p0  }
0x20: {  	[sflag:s8] =	ssyncset.s32 @!p0 $0xFFFFF086;
	s6 =	sadd.s32 @!p0 s3, s7;
	s7 =	simm.s32 @!p0 $0x108  }
0x21: {  	s3 =	sadd.s32 s3, s9;
	s6 =	sadd.s32 @!p0 $0x88, s6;
	s7 =	simm.s32 @p2 $0x1082  }
0x22: {  	[simem:s7], [sflag:s8] =	dma.local @!p0 [hbm:s6], $0xF7A  }
0x23: {  	s9 =	sor.u32 $0xD0000000, s2;
	s6 =	simm.s32 $0x108;
	_ =	swait.ge @!p0 [sflag:s8], $0x0  }
0x24: {  	s3 =	sadd.s32 $0x88, s3;
	s6 =	simm.s32 @!p1 $0x1082;
	[sflag:s4] =	ssyncset.s32 $0xFFFFF086  }
0x25: {  	[simem:s6], [sflag:s4] =	dma.local [hbm:s3], $0xF7A  }
0x26: {  	[smem:$0x3F9F] =	sst s1;
	(tag) =	ssettag s2;
	_ =	strace s9  }
0x27: {  	s1 =	sld [smem:$0x3FAF]  }
0x28: {  	s2 =	sld [smem:$0x3FB0]  }
0x29: {  	s4 =	sld [smem:$0x3FB2]  }
0x2a: {  	p0 =	seq.s32 s5, $0x0;
	s5 =	sld [smem:$0x3FB3]  }
0x2b: {  	s6 =	sld [smem:$0x3FB4]  }
0x2c: {  	s7 =	sld [smem:$0x3FB5]  }
0x2d: {  	s3 =	simm.s32 $0x108;
	s8 =	sld [smem:$0x3FB6]  }
0x2e: {  	s3 =	simm.s32 @!p0 $0x1082;
	s9 =	sld [smem:$0x3FB7]  }
0x2f: {  	lr =	sadd.s32 s0, s3;
	s0 =	sld [smem:$0x3FAE]  }
0x30: {  	s3 =	sld [smem:$0x3FB1]  }
0x31: {  	[smem:$0x3FBA] =	sst s10  }
0x32: {  	s10 =	sld [smem:$0x3FB8];
	_ =	sdelay $0x3  }
0x33: {  	p0 =	seq.s32 s10, $0x1;
	s10 =	sld [smem:$0x3FBA];
	_ =	sdelay $0x3  }
0x34: {  	[smem:$0x3FBA] =	sst s10  }
0x35: {  	s10 =	sld [smem:$0x3FB9];
	_ =	sdelay $0x3  }
0x36: {  	p1 =	seq.s32 s10, $0x1;
	s10 =	sld [smem:$0x3FBA];
	_ =	sdelay $0x3  }
0x37: {  	[smem:$0x3FBA] =	sst s10  }
0x38: {  	s10 =	sld [smem:$0x3FBB]  }
0x39: {  	_ = 	snop;
	(pc) =	sbr.ind lr, $3  }
0x3a: {  	_ = 	snop  }
0x3b: {  	_ = 	snop  }
0x3c: {  	p2 =	seq.s32 s10, $0x1;
	s10 =	sld [smem:$0x3FBA]  }
0x3d: {  	_ =	shalt  }
0x3e: {  	_ =	shalt  }
0x3f: {  	_ =	shalt  }
0x40: {  	_ =	shalt  }
0x41: {  	_ =	shalt  }
0x42: {  	_ =	shalt  }
0x43: {  	_ =	shalt  }
0x44: {  	_ =	shalt  }
0x45: {  	_ =	shalt  }
0x46: {  	_ =	shalt  }
0x47: {  	_ =	shalt  }
0x48: {  	_ =	shalt  }
0x49: {  	_ =	shalt  }
0x4a: {  	_ =	shalt  }
0x4b: {  	_ =	shalt  }
0x4c: {  	_ =	shalt  }
0x4d: {  	_ =	shalt  }
0x4e: {  	_ =	shalt  }
0x4f: {  	_ =	shalt  }
0x50: {  	_ =	shalt  }
0x51: {  	_ =	shalt  }
0x52: {  	_ =	shalt  }
0x53: {  	_ =	shalt  }
0x54: {  	_ =	shalt  }
0x55: {  	_ =	shalt  }
0x56: {  	_ =	shalt  }
0x57: {  	_ =	shalt  }
0x58: {  	_ =	shalt  }
0x59: {  	_ =	shalt  }
0x5a: {  	_ =	shalt  }
0x5b: {  	_ =	shalt  }
0x5c: {  	_ =	shalt  }
0x5d: {  	_ =	shalt  }
0x5e: {  	_ =	shalt  }
0x5f: {  	_ =	shalt  }
0x60: {  	_ =	shalt  }
0x61: {  	_ =	shalt  }
0x62: {  	_ =	shalt  }
0x63: {  	_ =	shalt  }
0x64: {  	_ =	shalt  }
0x65: {  	_ =	shalt  }
0x66: {  	_ =	shalt  }
0x67: {  	_ =	shalt  }
0x68: {  	_ =	shalt  }
0x69: {  	_ =	shalt  }
0x6a: {  	_ =	shalt  }
0x6b: {  	_ =	shalt  }
0x6c: {  	_ =	shalt  }
0x6d: {  	_ =	shalt  }
0x6e: {  	_ =	shalt  }
0x6f: {  	_ =	shalt  }
0x70: {  	_ =	shalt  }
0x71: {  	_ =	shalt  }
0x72: {  	_ =	shalt  }
0x73: {  	_ =	shalt  }
0x74: {  	_ =	shalt  }
0x75: {  	_ =	shalt  }
0x76: {  	_ =	shalt  }
0x77: {  	_ =	shalt  }
0x78: {  	_ =	shalt  }
0x79: {  	_ =	shalt  }
0x7a: {  	_ =	shalt  }
0x7b: {  	_ =	shalt  }
0x7c: {  	_ =	shalt  }
0x7d: {  	_ =	shalt  }
0x7e: {  	_ =	shalt  }
0x7f: {  	_ =	shalt  }
0x80: {  	_ =	shalt  }
0x81: {  	_ =	shalt  }
0x82: {  	_ =	shalt  }
0x83: {  	_ =	shalt  }
0x84: {  	_ =	shalt  }
0x85: {  	_ =	shalt  }
0x86: {  	_ =	shalt  }
0x87: {  	_ =	shalt  }
.Lfunc_end0:
.L_simem_size_0:
called_computation_lowered:
.L_overlay_start_0:
0x88: {  	s2 =	sld [smem:$0x3FD9]  }
0x89: {  	s3 =	sld [smem:$0x3FFE];
	_ =	sdelay $0x1  }
0x8a: {  	s1 =	srdreg.scid  }
0x8b: {  	s0 =	sand.u32 $0x1, s1  }
0x8c: {  	s18 =	sshll.u32 s0, $0xA;
	s2 =	sadd.s32 s3, s2  }
0x8d: {  	s2 =	sadd.s32 s2, s18  }
0x8e: {  	[smem:$0x3FC6] =	sst s2  }
0x8f: {  	_ = 	snop  }
0x90: {  	s2 =	sld [smem:$0x3FC9]  }
0x91: {  	s19 =	sld [smem:$0x3FC8]  }
0x92: {  	s4 =	sld [smem:$0x3FD0];
	(tm) =	ssettm $0x1  }
0x93: {  	s5 =	sld [smem:$0x3FFB];
	_ =	sdelay $0x3  }
0x94: {  	_ =	strace s5  }
0x95: {  	s5 =	sld [smem:$0x3FFC];
	_ =	sdelay $0x3  }
0x96: {  	_ =	strace s5  }
0x97: {  	s5 =	sld [smem:$0x3FFD];
	_ =	sdelay $0x3  }
0x98: {  	_ =	strace s5  }
0x99: {  	_ =	strace $0x8FFFFFFF  }
0x9a: {  	s20 =	sld [smem:$0x3FDB];
	_ =	sdelay $0x1  }
0x9b: {  	s6 =	simm.s32 $_scs_section_size  }
0x9c: {  	s7 =	simm.s32 $_size__tile_overlayer_lowered;
	s8 =	simm.s32 $_tile_overlayer_lowered  }
0x9d: {  	s23 =	simm.s32 $0x1BFF;
	s22 =	sshll.u32 s8, $0x1;
	s5 =	sadd.s32 s6, s20  }
0x9e: {  	s9 =	simm.s32 $0x0;
	s21 =	sshll.u32 s7, $0x1;
	s7 =	sadd.s32 s22, s5  }
0x9f: {  	[timem:s9], [sflag:s23] =	dma.local [hbm:s7], s21  }
0xa0: {  	_ =	swait.ge [sflag:s23], s21  }
0xa1: {  	s6 =	ssub.s32 $0x0, s21;
	[sflag:s23] =	ssyncset.done $0x0  }
0xa2: {  	[sflag:s23] =	ssyncadd.s32 s6;
	_ =	sdelay $0x1  }
0xa3: {  	s24 =	simm.s32 $0x1B8B  }
0xa4: {  	_ =	swait.ge [sflag:s24], $0x1  }
0xa5: {  	[sflag:s24] =	ssyncset.done $0x0  }
0xa6: {  	s25 =	simm.s32 $0x1B8E;
	[sflag:s24] =	ssyncadd.s32 $0xFFFFFFFF  }
0xa7: {  	s26 =	simm.s32 $execute0_lowered;
	[smem:$0x3FD2] =	sst s25  }
0xa8: {  	s6 =	sshll.u32 s26, $0x1;
	_ =	strace $0x80000046;
	[dreg:$0x1] =	wrdreg $0xFFFFFFFF  }
0xa9: {  	s28 =	simm.s32 $_size_execute0_lowered;
	s5 =	sadd.s32 s5, s6;
	[dreg:$0x0] =	wrdreg $0x0  }
0xaa: {  	s6 =	sshll.u32 s28, $0x1;
	[dreg:$0x2] =	wrdreg s5  }
0xab: {  	[dreg:$0x3] =	wrdreg s6  }
0xac: {  	[dreg:$0x4] =	wrdreg $0xC0  }
0xad: {  	_ =	task [dreg:s9], $0x5FFFF  }
0xae: {  	[dreg:$0x1] =	wrdreg $0xFFFFFFFF  }
0xaf: {  	[dreg:$0x0] =	wrdreg $0x60  }
0xb0: {  	[dreg:$0x2] =	wrdreg s2  }
0xb1: {  	[dreg:$0x3] =	wrdreg s19  }
0xb2: {  	[dreg:$0x4] =	wrdreg s4  }
0xb3: {  	[dreg:$0x5] =	wrdreg $0x9  }
0xb4: {  	_ =	task.clear_ibuf [dreg:s9], $0x6FFFF;
	_ =	strace $0x90000046  }
0xb5: {  	s29 =	simm.s32 $0x9;
	_ =	strace $0x80000048  }
0xb6: {  	_ =	swait.ge [sflag:s29], $0x1  }
0xb7: {  	[sflag:s29] =	ssyncadd.s32 $0xFFFFFFFF  }
0xb8: {  	_ =	strace $0x90000048  }
0xb9: {  	_ =	sfence  }
0xba: {  	s30 =	sld [smem:$0x0];
	_ =	sdelay $0x2  }
0xbb: {  	s31 =	sshll.u32 s1, $0xD;
	s1 =	sshrl.u32 s1, $0x2  }
0xbc: {  	s3 =	sand.u32 $0x4000, s31;
	s1 =	sadd.s32 s1, s30  }
0xbd: {  	s0 =	sor.u32 s3, s0;
	s1 =	sshll.u32 s1, $0x11  }
0xbe: {  	s0 =	sor.u32 s1, s0  }
0xbf: {  	s0 =	sadd.s32 $0x8F2B, s0  }
0xc0: {  	[sflag:s0] =	ssyncadd.remote.s32 $0x1  }
0xc1: {  	_ =	sfence.sel $0xFFFF  }
0xc2: {  	[dreg:$0x0] =	wrdreg $0xFFFFFFFF;
	(pc) =	sbr.abs _section_cstart, $3  }
0xc3: {  	[dreg:$0x1] =	wrdreg $0xFFFFFFFF  }
0xc4: {  	_ =	task.clear_ibuf [dreg:s9], $0x2FFFF;
	_ =	strace $0x9FFFFFFF  }
0xc5: {  	(tm) =	ssettm $0x7FFFFFFF  }
tec
execute0_lowered:
.L_overlay_start_1:
0x0: {  	(tag) =	ssettag $0x1  }
0x1: {  	s1 =	rddreg [dreg:$0x0]  }
0x2: {  	s0 =	rddreg [dreg:$0x1]  }
0x3: {  	s2 =	rddreg [dreg:$0x2]  }
0x4: {  	s3 =	srdreg.scid;
	s7 =	stileid.u32  }
0x5: {  	s5 =	simm.s32 $0x0;
	s14 =	simm.s32 $0x80;
	s15 =	simm.s32 $0x400  }
0x6: {  	s17 =	simm.s32 $0x8;
	s31 =	simm.s32 $0x180;
	s18 =	simm.s32 $0x4400  }
0x7: {  	s19 =	simm.s32 $0xC400;
	s20 =	simm.s32 $0x1;
	s21 =	simm.s32 $0x3  }
0x8: {  	s22 =	simm.s32 $0x800;
	s16 =	simm.s32 $0x8400;
	s3 =	sand.u32 $0x1, s3  }
0x9: {  	s4 =	sshll.u32 s7, $0x1;
	[smem:$0x7FF] =	sst s5;
	s28 =	sshll.u32 s7, $0x6  }
0xa: {  	s30 =	sshll.u32 s7, $0xD;
	s8 =	sor.u32 s3, s4;
	_ =	strace $0x80000047  }
0xb: {  	s23 =	ssub.s32 $0x2, s3;
	s29 =	sshll.u32 s3, $0x5;
	s2 =	sadd.s32 s30, s2  }
0xc: {  	s3 =	sshll.u32 s3, $0xC;
	[dreg:$0x4] =	wrdreg s31;
	s24 =	sshll.u32 s8, $0x5  }
0xd: {  	s6 =	sshrl.u32 s23, $0x1;
	[dreg:$0x5] =	wrdreg s8;
	s25 =	ssub.s32 $0x3, s8  }
0xe: {  	s11 =	sadd.s32 s3, s2;
	s3 =	simm.s32 $0x0;
	s9 =	sadd.s32 s0, s24  }
0xf: {  	s4 =	ssub.s32 s23, s6;
	s5 =	sand.u32 $0x20, s25;
	s0 =	sadd.s32 s28, s0  }
0x10: {  	[dreg:$0x6] =	wrdreg s9;
	s26 =	sadd.s32 $0x400, s9;
	p0 =	seq.s32 s5, $0x0  }
0x11: {  	s4 =	smax.u32 s4, $0x1;
	s0 =	sadd.s32 s29, s0;
	[dreg:$0x7] =	wrdreg s26  }
0x12: {  	[dreg:$0x8] =	wrdreg s4;
	s4 =	simm.s32 $0x5;
	s0 =	sadd.s32 $0x1400, s0  }
0x13: {  	s23 =	simm.s32 $0x2;
	s4 =	simm.s32 @!p0 $0x6;
	[dreg:$0xa] =	wrdreg s0  }
0x14: {  	s24 =	simm.s32 $0x4;
	s9 =	simm.s32 $0x5;
	[dreg:$0x9] =	wrdreg s4  }
.LBB2_1:
0x15: {  	[dreg:$0xb] =	wrdreg s3  }
0x16: {  	s0 =	simm.s32 $0x0;
	s2 =	rddreg [dreg:$0x6]  }
0x17: {  	[tilespmem:s0], [sflag:$0x7] =	stream.linear.gather [hbm4b:s2+s0], $0x100, $0x38;
	[tilespmem:$0x10400] =	vst v63  }
0x18: {  	s3 =	rddreg [dreg:$0x7];
	s6 =	simm.s32 $0x100;
	s4 =	simm.s32 $0x7  }
0x19: {  	[tilespmem:s6], [sflag:$0x8] =	stream.linear.gather [hbm4b:s3+s0], $0x100, $0x38;
	[tilespmem:$0x10400] =	vst v63  }
0x1a: {  	_ =	swait.ge [sflag:s4], $0x100  }
0x1b: {  	s7 =	simm.s32 $0x8400;
	[sflag:s4] =	ssyncset.done $0x0;
	s8 =	rddreg [dreg:$0x5]  }
0x1c: {  	p1 =	por $0x1, $0x1;
	[sflag:s4] =	ssyncadd.s32 $0xFFFFFF00;
	s2 =	sadd.s32 $0x40, s8  }
0x1d: {  	[tilespmem:s15], [sflag:$0x1] =	stream.indirect.gather [hbm4b:s1+s14], $0x80, s0, s14, $0xb8;
	[tilespmem:$0x10400] =	vst v63  }
0x1e: {  	s5 =	simm.s32 @!p1 $0x6;
	s12 =	rddreg [dreg:$0xa];
	p0 =	sgt.u32 s2, $0x9C3  }
0x1f: {  	[tilespmem:s7], [sflag:$0x3] =	stream.indirect.gather [hbm4b:s1+s14], $0x80, s14, s14, $0xb8;
	[tilespmem:$0x10400] =	vst v63  }
0x20: {  	s0 =	simm.s32 @!p0 $0x200;
	s3 =	sadd.s32 @!p0 $0xFFFFF400, s12;
	s4 =	simm.s32 @!p0 $0x0  }
0x21: {  	[tilespmem:s0], [sflag:$0x9] =	stream.linear.gather @!p0 [hbm4b:s3+s4], $0x100, $0x38;
	[tilespmem:$0x10400] =	vst v63  }
0x22: {  	_ =	swait.ge @!p1 [sflag:s5], $0x4000  }
0x23: {  	[sflag:s5] =	ssyncset.done @!p1 $0x0  }
0x24: {  	[sflag:s5] =	ssyncadd.s32 @!p1 $0xFFFFC000  }
0x25: {  	_ =	swait.ge @!p1 [sflag:s5], $0x4000  }
0x26: {  	[sflag:s5] =	ssyncset.done @!p1 $0x0  }
0x27: {  	[sflag:s5] =	ssyncadd.s32 @!p1 $0xFFFFC000  }
0x28: {  	_ =	swait.ge [sflag:s17], $0x100  }
0x29: {  	[sflag:s17] =	ssyncset.done $0x0  }
0x2a: {  	[sflag:s17] =	ssyncadd.s32 $0xFFFFFF00  }
0x2b: {  	[tilespmem:s18], [sflag:$0x2] =	stream.indirect.gather [hbm4b:s1+s14], $0x80, s6, s14, $0xb8;
	[tilespmem:$0x10400] =	vst v63  }
0x2c: {  	s5 =	rddreg [dreg:$0x4]  }
0x2d: {  	[tilespmem:s19], [sflag:$0x4] =	stream.indirect.gather [hbm4b:s1+s14], $0x80, s5, s14, $0xb8;
	[tilespmem:$0x10400] =	vst v63  }
0x2e: {  	_ =	swait.ge [sflag:s20], $0x4000  }
0x2f: {  	[sflag:s20] =	ssyncset.done $0x0  }
0x30: {  	[sflag:s20] =	ssyncadd.s32 $0xFFFFC000  }
0x31: {  	_ =	swait.ge [sflag:s21], $0x4000  }
0x32: {  	[sflag:s21] =	ssyncset.done $0x0  }
0x33: {  	s10 =	sadd.s32 $0x0, s11;
	s0 =	sadd.s32 $0x60, s8;
	[sflag:s21] =	ssyncadd.s32 $0xFFFFC000  }
0x34: {  	[hbm4b:s10+s15] =	stream.strided.scatter [tilespmem:s15], [sflag:$0x5], $0x4000, s22, s15, $0x38;
	[tilespmem:$0x10400] =	vst v63  }
0x35: {  	s13 =	sadd.s32 $0x80, s10;
	p1 =	sgt.u32 s0, $0x9C3  }
0x36: {  	[hbm4b:s13+s15] =	stream.strided.scatter [tilespmem:s7], [sflag:$0x5], $0x4000, s22, s15, $0x38;
	[tilespmem:$0x10400] =	vst v63  }
0x37: {  	s4 =	sadd.s32 @!p1 $0xFFFFF800, s12;
	s6 =	simm.s32 @!p1 $0x0;
	s5 =	simm.s32 @!p1 $0x300  }
0x38: {  	[tilespmem:s5], [sflag:$0xA] =	stream.linear.gather @!p1 [hbm4b:s4+s6], $0x100, $0x38;
	[tilespmem:$0x10400] =	vst v63  }
0x39: {  	_ =	swait.ge [sflag:s9], $0x4000  }
0x3a: {  	[sflag:s9] =	ssyncset.done $0x0  }
0x3b: {  	[sflag:s9] =	ssyncadd.s32 $0xFFFFC000  }
0x3c: {  	s25 =	sadd.s32 $0x20, s8;
	_ =	swait.ge [sflag:s9], $0x4000  }
0x3d: {  	p2 =	sgt.u32 s25, $0x9A3;
	[sflag:s9] =	ssyncset.done $0x0  }
0x3e: {  	s4 =	simm.s32 @!p2 $0x9;
	[sflag:s9] =	ssyncadd.s32 $0xFFFFC000  }
0x3f: {  	_ =	swait.ge @!p2 [sflag:s4], $0x100  }
0x40: {  	s7 =	simm.s32 @!p2 $0x200;
	[sflag:s4] =	ssyncset.done @!p2 $0x0  }
0x41: {  	s5 =	simm.s32 @!p2 $0x400;
	s6 =	simm.s32 @!p2 $0x80;
	[sflag:s4] =	ssyncadd.s32 @!p2 $0xFFFFFF00  }
0x42: {  	[tilespmem:s5], [sflag:$0x1] =	stream.indirect.gather @!p2 [hbm4b:s1+s6], $0x80, s7, s6, $0xb8;
	[tilespmem:$0x10400] =	vst v63  }
0x43: {  	s4 =	simm.s32 @!p2 $0x280;
	s5 =	simm.s32 @!p2 $0x8400  }
0x44: {  	[tilespmem:s5], [sflag:$0x3] =	stream.indirect.gather @!p2 [hbm4b:s1+s6], $0x80, s4, s6, $0xb8;
	[tilespmem:$0x10400] =	vst v63  }
0x45: {  	_ =	swait.ge [sflag:s23], $0x4000  }
0x46: {  	[sflag:s23] =	ssyncset.done $0x0  }
0x47: {  	[sflag:s23] =	ssyncadd.s32 $0xFFFFC000  }
0x48: {  	_ =	swait.ge [sflag:s24], $0x4000  }
0x49: {  	[sflag:s24] =	ssyncset.done $0x0  }
0x4a: {  	s26 =	sadd.s32 $0x20000, s10;
	p2 =	sgt.u32 @!p0 s8, $0x943;
	[sflag:s24] =	ssyncadd.s32 $0xFFFFC000  }
0x4b: {  	[hbm4b:s26+s15] =	stream.strided.scatter [tilespmem:s18], [sflag:$0x6], $0x4000, s22, s15, $0x38;
	[tilespmem:$0x10400] =	vst v63  }
0x4c: {  	s3 =	sadd.s32 $0x20080, s10;
	p2 =	por p2, p0  }
0x4d: {  	[hbm4b:s3+s15] =	stream.strided.scatter [tilespmem:s19], [sflag:$0x6], $0x4000, s22, s15, $0x38;
	[tilespmem:$0x10400] =	vst v63  }
0x4e: {  	s5 =	simm.s32 @!p0 $0x6;
	s4 =	simm.s32 @!p2 $0x0;
	s3 =	sadd.s32 @!p2 $0xFFFFFC00, s12  }
0x4f: {  	[tilespmem:s4], [sflag:$0x7] =	stream.linear.gather @!p2 [hbm4b:s3+s4], $0x100, $0x38;
	[tilespmem:$0x10400] =	vst v63  }
0x50: {  	_ =	swait.ge @!p0 [sflag:s5], $0x4000  }
0x51: {  	[sflag:s5] =	ssyncset.done @!p0 $0x0  }
0x52: {  	[sflag:s5] =	ssyncadd.s32 @!p0 $0xFFFFC000  }
0x53: {  	p2 =	sgt.u32 @!p0 s2, $0x9A3;
	_ =	swait.ge @!p0 [sflag:s5], $0x4000  }
0x54: {  	p2 =	por p2, p0;
	[sflag:s5] =	ssyncset.done @!p0 $0x0  }
0x55: {  	s2 =	simm.s32 @!p2 $0xA;
	[sflag:s5] =	ssyncadd.s32 @!p0 $0xFFFFC000  }
0x56: {  	_ =	swait.ge @!p2 [sflag:s2], $0x100  }
0x57: {  	s3 =	simm.s32 @!p2 $0x4400;
	[sflag:s2] =	ssyncset.done @!p2 $0x0  }
0x58: {  	s4 =	simm.s32 @!p2 $0x80;
	s5 =	simm.s32 @!p2 $0x300;
	[sflag:s2] =	ssyncadd.s32 @!p2 $0xFFFFFF00  }
0x59: {  	[tilespmem:s3], [sflag:$0x2] =	stream.indirect.gather @!p2 [hbm4b:s1+s4], $0x80, s5, s4, $0xb8;
	[tilespmem:$0x10400] =	vst v63  }
0x5a: {  	s2 =	simm.s32 @!p2 $0x380;
	s3 =	simm.s32 @!p2 $0xC400;
	s5 =	simm.s32 @!p0 $0x1  }
0x5b: {  	[tilespmem:s3], [sflag:$0x4] =	stream.indirect.gather @!p2 [hbm4b:s1+s4], $0x80, s2, s4, $0xb8;
	[tilespmem:$0x10400] =	vst v63  }
0x5c: {  	_ =	swait.ge @!p0 [sflag:s5], $0x4000  }
0x5d: {  	[sflag:s5] =	ssyncset.done @!p0 $0x0  }
0x5e: {  	s2 =	simm.s32 @!p0 $0x3;
	[sflag:s5] =	ssyncadd.s32 @!p0 $0xFFFFC000  }
0x5f: {  	p2 =	sgt.u32 @!p1 s8, $0x923;
	_ =	swait.ge @!p0 [sflag:s2], $0x4000  }
0x60: {  	s3 =	simm.s32 @!p0 $0x800;
	s4 =	sadd.s32 @!p0 $0x0, s11;
	[sflag:s2] =	ssyncset.done @!p0 $0x0  }
0x61: {  	s6 =	sadd.s32 @!p0 $0x40000, s4;
	s5 =	simm.s32 @!p0 $0x400;
	[sflag:s2] =	ssyncadd.s32 @!p0 $0xFFFFC000  }
0x62: {  	[hbm4b:s6+s5] =	stream.strided.scatter @!p0 [tilespmem:s5], [sflag:$0x5], $0x4000, s3, s5, $0x38;
	[tilespmem:$0x10400] =	vst v63  }
0x63: {  	p2 =	por p2, p1;
	s4 =	sadd.s32 @!p0 $0x40080, s4;
	s2 =	simm.s32 @!p0 $0x8400  }
0x64: {  	[hbm4b:s4+s5] =	stream.strided.scatter @!p0 [tilespmem:s2], [sflag:$0x5], $0x4000, s3, s5, $0x38;
	[tilespmem:$0x10400] =	vst v63  }
0x65: {  	s2 =	simm.s32 @!p2 $0x0;
	s3 =	simm.s32 @!p2 $0x100;
	s4 =	simm.s32 @!p1 $0x5  }
0x66: {  	[tilespmem:s3], [sflag:$0x8] =	stream.linear.gather @!p2 [hbm4b:s12+s2], $0x100, $0x38;
	[tilespmem:$0x10400] =	vst v63  }
0x67: {  	_ =	swait.ge @!p1 [sflag:s4], $0x4000  }
0x68: {  	[sflag:s4] =	ssyncset.done @!p1 $0x0  }
0x69: {  	p4 =	por $0x0, $0x0;
	[sflag:s4] =	ssyncadd.s32 @!p1 $0xFFFFC000  }
0x6a: {  	s29 =	sadd.s32 $0x80, s8;
	p0 =	sgt.u32 @!p1 s0, $0x9A3;
	_ =	swait.ge @!p1 [sflag:s4], $0x4000  }
0x6b: {  	s30 =	sadd.s32 $0x1000, s12;
	p0 =	por p0, p1;
	[sflag:s4] =	ssyncset.done @!p1 $0x0  }
0x6c: {  	s31 =	sadd.s32 $0x40, s29;
	s3 =	simm.s32 @!p0 $0x7;
	[sflag:s4] =	ssyncadd.s32 @!p1 $0xFFFFC000  }
0x6d: {  	s28 =	sadd.s32 $0x60, s29;
	s10 =	simm.s32 @!p1 $0x2;
	_ =	swait.ge @!p0 [sflag:s3], $0x100  }
0x6e: {  	s13 =	simm.s32 @!p1 $0x4400;
	s5 =	simm.s32 @!p0 $0x400;
	[sflag:s3] =	ssyncset.done @!p0 $0x0  }
0x6f: {  	s6 =	simm.s32 @!p0 $0x80;
	s7 =	simm.s32 @!p0 $0x0;
	[sflag:s3] =	ssyncadd.s32 @!p0 $0xFFFFFF00  }
0x70: {  	[tilespmem:s5], [sflag:$0x1] =	stream.indirect.gather @!p0 [hbm4b:s1+s6], $0x80, s7, s6, $0xb8;
	[tilespmem:$0x10400] =	vst v63  }
0x71: {  	s26 =	simm.s32 $0x80000;
	s8 =	simm.s32 @!p1 $0x4;
	s3 =	simm.s32 @!p0 $0x8400  }
0x72: {  	[tilespmem:s3], [sflag:$0x3] =	stream.indirect.gather @!p0 [hbm4b:s1+s6], $0x80, s6, s6, $0xb8;
	[tilespmem:$0x10400] =	vst v63  }
0x73: {  	s0 =	sadd.s32 $0x20, s29;
	s4 =	sadd.s32 @!p1 $0x0, s11;
	_ =	swait.ge @!p1 [sflag:s10], $0x4000  }
0x74: {  	s2 =	simm.s32 $0x100000;
	s5 =	sadd.s32 @!p1 $0x60000, s4;
	[sflag:s10] =	ssyncset.done @!p1 $0x0  }
0x75: {  	s7 =	sadd.s32 @!p1 $0x60080, s4;
	s4 =	simm.s32 @!p1 $0x400;
	[sflag:s10] =	ssyncadd.s32 @!p1 $0xFFFFC000  }
0x76: {  	s6 =	sadd.s32 $0x80, s29;
	s10 =	simm.s32 @!p1 $0x800;
	_ =	swait.ge @!p1 [sflag:s8], $0x4000  }
.LBB2_2:
0x77: {  	p2 =	sgt.u32 s31, $0x9C3  }
0x78: {  	[sflag:s8] =	ssyncset.done @!p1 $0x0;
	s3 =	smov.u32 s2;
	s2 =	sadd.s32 $0x80000, s2  }
0x79: {  	p0 =	sgt.u32 @!p2 s29, $0x943;
	[sflag:s8] =	ssyncadd.s32 @!p1 $0xFFFFC000;
	s8 =	simm.s32 @!p1 $0xC400  }
0x7a: {  	[hbm4b:s5+s4] =	stream.strided.scatter @!p1 [tilespmem:s13], [sflag:$0x6], $0x4000, s10, s4, $0x38;
	[tilespmem:$0x10400] =	vst v63  }
0x7b: {  	s5 =	simm.s32 @!p2 $0x200;
	p5 =	por p0, p2;
	p0 =	sne.s32 s2, $0xA00000  }
0x7c: {  	[hbm4b:s7+s4] =	stream.strided.scatter @!p1 [tilespmem:s8], [sflag:$0x6], $0x4000, s10, s4, $0x38;
	[tilespmem:$0x10400] =	vst v63  }
0x7d: {  	s4 =	sadd.s32 @!p2 $0xFFFFF400, s30;
	s7 =	simm.s32 @!p2 $0x0;
	s8 =	simm.s32 @!p4 $0x6  }
0x7e: {  	[tilespmem:s5], [sflag:$0x9] =	stream.linear.gather @!p2 [hbm4b:s4+s7], $0x100, $0x38;
	[tilespmem:$0x10400] =	vst v63  }
0x7f: {  	s5 =	simm.s32 @!p0 $0x0;
	_ =	swait.ge @!p4 [sflag:s8], $0x4000  }
0x80: {  	s5 =	simm.s32 @p0 $0x1;
	[sflag:s8] =	ssyncset.done @!p4 $0x0  }
0x81: {  	[smem:$0x7FD] =	sst s5;
	[sflag:s8] =	ssyncadd.s32 @!p4 $0xFFFFC000  }
0x82: {  	_ =	swait.ge @!p4 [sflag:s8], $0x4000  }
0x83: {  	[sflag:s8] =	ssyncset.done @!p4 $0x0  }
0x84: {  	[sflag:s8] =	ssyncadd.s32 @!p4 $0xFFFFC000  }
0x85: {  	_ =	swait.ge [sflag:s17], $0x100  }
0x86: {  	[sflag:s17] =	ssyncset.done $0x0  }
0x87: {  	s10 =	simm.s32 $0x100;
	[sflag:s17] =	ssyncadd.s32 $0xFFFFFF00  }
0x88: {  	[tilespmem:s18], [sflag:$0x2] =	stream.indirect.gather [hbm4b:s1+s14], $0x80, s10, s14, $0xb8;
	[tilespmem:$0x10400] =	vst v63  }
0x89: {  	s8 =	rddreg [dreg:$0x4]  }
0x8a: {  	[tilespmem:s19], [sflag:$0x4] =	stream.indirect.gather [hbm4b:s1+s14], $0x80, s8, s14, $0xb8;
	[tilespmem:$0x10400] =	vst v63  }
0x8b: {  	_ =	swait.ge [sflag:s20], $0x4000  }
0x8c: {  	[sflag:s20] =	ssyncset.done $0x0  }
0x8d: {  	[sflag:s20] =	ssyncadd.s32 $0xFFFFC000  }
0x8e: {  	_ =	swait.ge [sflag:s21], $0x4000  }
0x8f: {  	[sflag:s21] =	ssyncset.done $0x0  }
0x90: {  	s10 =	sadd.s32 s26, s11;
	[sflag:s21] =	ssyncadd.s32 $0xFFFFC000  }
0x91: {  	[hbm4b:s10+s15] =	stream.strided.scatter [tilespmem:s15], [sflag:$0x5], $0x4000, s22, s15, $0x38;
	[tilespmem:$0x10400] =	vst v63  }
0x92: {  	p1 =	sgt.u32 s28, $0x9C3;
	s12 =	sadd.s32 $0x80, s10  }
0x93: {  	[hbm4b:s12+s15] =	stream.strided.scatter [tilespmem:s16], [sflag:$0x5], $0x4000, s22, s15, $0x38;
	[tilespmem:$0x10400] =	vst v63  }
0x94: {  	s7 =	sadd.s32 @!p1 $0xFFFFF800, s30;
	s5 =	simm.s32 @!p1 $0x0;
	s8 =	simm.s32 @!p1 $0x300  }
0x95: {  	[tilespmem:s8], [sflag:$0xA] =	stream.linear.gather @!p1 [hbm4b:s7+s5], $0x100, $0x38;
	[tilespmem:$0x10400] =	vst v63  }
0x96: {  	s25 =	sadd.s32 $0x40, s6;
	p3 =	sgt.u32 @!p2 s31, $0x9A3;
	_ =	swait.ge [sflag:s9], $0x4000  }
0x97: {  	s31 =	smov.u32 s25;
	s13 =	sadd.s32 $0x20, s6;
	[sflag:s9] =	ssyncset.done $0x0  }
0x98: {  	s25 =	sadd.s32 @!p1 s26, s11;
	p0 =	sgt.u32 @!p1 s29, $0x923;
	[sflag:s9] =	ssyncadd.s32 $0xFFFFC000  }
0x99: {  	s4 =	sadd.s32 $0x60, s6;
	p6 =	por p0, p1;
	_ =	swait.ge [sflag:s9], $0x4000  }
0x9a: {  	p0 =	sgt.u32 s0, $0x9A3;
	p4 =	sgt.u32 @!p1 s28, $0x9A3;
	[sflag:s9] =	ssyncset.done $0x0  }
0x9b: {  	s28 =	smov.u32 s4;
	s4 =	simm.s32 @!p0 $0x9;
	[sflag:s9] =	ssyncadd.s32 $0xFFFFC000  }
0x9c: {  	s0 =	smov.u32 s13;
	s13 =	simm.s32 @!p0 $0x80;
	_ =	swait.ge @!p0 [sflag:s4], $0x100  }
0x9d: {  	s5 =	sadd.s32 @!p1 $0x60000, s25;
	s7 =	sadd.s32 @!p1 $0x60080, s25;
	[sflag:s4] =	ssyncset.done @!p0 $0x0  }
0x9e: {  	s8 =	simm.s32 @!p0 $0x400;
	s25 =	simm.s32 @!p0 $0x200;
	[sflag:s4] =	ssyncadd.s32 @!p0 $0xFFFFFF00  }
0x9f: {  	[tilespmem:s8], [sflag:$0x1] =	stream.indirect.gather @!p0 [hbm4b:s1+s13], $0x80, s25, s13, $0xb8;
	[tilespmem:$0x10400] =	vst v63  }
0xa0: {  	s12 =	simm.s32 @!p0 $0x8400;
	s4 =	simm.s32 @!p0 $0x280  }
0xa1: {  	[tilespmem:s12], [sflag:$0x3] =	stream.indirect.gather @!p0 [hbm4b:s1+s13], $0x80, s4, s13, $0xb8;
	[tilespmem:$0x10400] =	vst v63  }
0xa2: {  	_ =	swait.ge [sflag:s23], $0x4000  }
0xa3: {  	[sflag:s23] =	ssyncset.done $0x0  }
0xa4: {  	[sflag:s23] =	ssyncadd.s32 $0xFFFFC000  }
0xa5: {  	_ =	swait.ge [sflag:s24], $0x4000  }
0xa6: {  	[sflag:s24] =	ssyncset.done $0x0  }
0xa7: {  	s12 =	sadd.s32 $0x20000, s10;
	[sflag:s24] =	ssyncadd.s32 $0xFFFFC000  }
0xa8: {  	[hbm4b:s12+s15] =	stream.strided.scatter [tilespmem:s18], [sflag:$0x6], $0x4000, s22, s15, $0x38;
	[tilespmem:$0x10400] =	vst v63  }
0xa9: {  	s13 =	sadd.s32 $0x20080, s10  }
0xaa: {  	[hbm4b:s13+s15] =	stream.strided.scatter [tilespmem:s19], [sflag:$0x6], $0x4000, s22, s15, $0x38;
	[tilespmem:$0x10400] =	vst v63  }
0xab: {  	s8 =	simm.s32 @!p5 $0x0;
	s4 =	sadd.s32 @!p5 $0xFFFFFC00, s30;
	s10 =	simm.s32 @!p2 $0x6  }
0xac: {  	[tilespmem:s8], [sflag:$0x7] =	stream.linear.gather @!p5 [hbm4b:s4+s8], $0x100, $0x38;
	[tilespmem:$0x10400] =	vst v63  }
0xad: {  	_ =	swait.ge @!p2 [sflag:s10], $0x4000  }
0xae: {  	[sflag:s10] =	ssyncset.done @!p2 $0x0  }
0xaf: {  	[sflag:s10] =	ssyncadd.s32 @!p2 $0xFFFFC000  }
0xb0: {  	_ =	swait.ge @!p2 [sflag:s10], $0x4000  }
0xb1: {  	p3 =	por p3, p2;
	[sflag:s10] =	ssyncset.done @!p2 $0x0  }
0xb2: {  	s4 =	simm.s32 @!p3 $0xA;
	[sflag:s10] =	ssyncadd.s32 @!p2 $0xFFFFC000  }
0xb3: {  	_ =	swait.ge @!p3 [sflag:s4], $0x100  }
0xb4: {  	s12 =	simm.s32 @!p3 $0x80;
	[sflag:s4] =	ssyncset.done @!p3 $0x0  }
0xb5: {  	s13 =	simm.s32 @!p3 $0x300;
	s8 =	simm.s32 @!p3 $0x4400;
	[sflag:s4] =	ssyncadd.s32 @!p3 $0xFFFFFF00  }
0xb6: {  	[tilespmem:s8], [sflag:$0x2] =	stream.indirect.gather @!p3 [hbm4b:s1+s12], $0x80, s13, s12, $0xb8;
	[tilespmem:$0x10400] =	vst v63  }
0xb7: {  	s10 =	simm.s32 @!p2 $0x1;
	s4 =	simm.s32 @!p3 $0x380;
	s8 =	simm.s32 @!p3 $0xC400  }
0xb8: {  	[tilespmem:s8], [sflag:$0x4] =	stream.indirect.gather @!p3 [hbm4b:s1+s12], $0x80, s4, s12, $0xb8;
	[tilespmem:$0x10400] =	vst v63  }
0xb9: {  	_ =	swait.ge @!p2 [sflag:s10], $0x4000  }
0xba: {  	[sflag:s10] =	ssyncset.done @!p2 $0x0  }
0xbb: {  	s4 =	simm.s32 @!p2 $0x3;
	[sflag:s10] =	ssyncadd.s32 @!p2 $0xFFFFC000  }
0xbc: {  	_ =	swait.ge @!p2 [sflag:s4], $0x4000  }
0xbd: {  	s8 =	simm.s32 @!p2 $0x800;
	s10 =	sadd.s32 @!p2 s26, s11;
	[sflag:s4] =	ssyncset.done @!p2 $0x0  }
0xbe: {  	s12 =	simm.s32 @!p2 $0x400;
	s25 =	sadd.s32 @!p2 $0x40000, s10;
	[sflag:s4] =	ssyncadd.s32 @!p2 $0xFFFFC000  }
0xbf: {  	[hbm4b:s25+s12] =	stream.strided.scatter @!p2 [tilespmem:s12], [sflag:$0x5], $0x4000, s8, s12, $0x38;
	[tilespmem:$0x10400] =	vst v63  }
0xc0: {  	s13 =	simm.s32 @!p2 $0x8400;
	s26 =	smov.u32 s3;
	s10 =	sadd.s32 @!p2 $0x40080, s10  }
0xc1: {  	[hbm4b:s10+s12] =	stream.strided.scatter @!p2 [tilespmem:s13], [sflag:$0x5], $0x4000, s8, s12, $0x38;
	[tilespmem:$0x10400] =	vst v63  }
0xc2: {  	s3 =	simm.s32 @!p6 $0x0;
	s4 =	simm.s32 @!p6 $0x100;
	s8 =	simm.s32 @!p1 $0x5  }
0xc3: {  	[tilespmem:s4], [sflag:$0x8] =	stream.linear.gather @!p6 [hbm4b:s30+s3], $0x100, $0x38;
	[tilespmem:$0x10400] =	vst v63  }
0xc4: {  	_ =	swait.ge @!p1 [sflag:s8], $0x4000  }
0xc5: {  	[sflag:s8] =	ssyncset.done @!p1 $0x0  }
0xc6: {  	[sflag:s8] =	ssyncadd.s32 @!p1 $0xFFFFC000  }
0xc7: {  	_ =	swait.ge @!p1 [sflag:s8], $0x4000  }
0xc8: {  	p2 =	por p4, p1;
	[sflag:s8] =	ssyncset.done @!p1 $0x0  }
0xc9: {  	s3 =	simm.s32 @!p2 $0x7;
	[sflag:s8] =	ssyncadd.s32 @!p1 $0xFFFFC000  }
0xca: {  	_ =	swait.ge @!p2 [sflag:s3], $0x100  }
0xcb: {  	s10 =	simm.s32 @!p2 $0x0;
	[sflag:s3] =	ssyncset.done @!p2 $0x0  }
0xcc: {  	s4 =	simm.s32 @!p2 $0x400;
	s8 =	simm.s32 @!p2 $0x80;
	[sflag:s3] =	ssyncadd.s32 @!p2 $0xFFFFFF00  }
0xcd: {  	[tilespmem:s4], [sflag:$0x1] =	stream.indirect.gather @!p2 [hbm4b:s1+s8], $0x80, s10, s8, $0xb8;
	[tilespmem:$0x10400] =	vst v63  }
0xce: {  	s12 =	simm.s32 @!p2 $0x8400;
	s3 =	simm.s32 @!p1 $0x2  }
0xcf: {  	[tilespmem:s12], [sflag:$0x3] =	stream.indirect.gather @!p2 [hbm4b:s1+s8], $0x80, s8, s8, $0xb8;
	[tilespmem:$0x10400] =	vst v63  }
0xd0: {  	_ =	swait.ge @!p1 [sflag:s3], $0x4000  }
0xd1: {  	[sflag:s3] =	ssyncset.done @!p1 $0x0  }
0xd2: {  	s8 =	simm.s32 @!p1 $0x4;
	[sflag:s3] =	ssyncadd.s32 @!p1 $0xFFFFC000  }
0xd3: {  	_ =	swait.ge @!p1 [sflag:s8], $0x4000  }
0xd4: {  	s25 =	sld [smem:$0x7FD];
	_ =	sdelay $0x2  }
0xd5: {  	p0 =	seq.s32 s25, $0x1  }
.Ltmp0:
0xd6: {  	_ = 	snop;
	(pc) =	sbr.rel @p0 .LBB2_2-.Ltmp0, $4  }
0xd7: {  	_ = 	snop  }
0xd8: {  	s29 =	smov.u32 s6  }
0xd9: {  	s6 =	sadd.s32 $0x80, s6;
	s13 =	simm.s32 @!p1 $0x4400;
	p4 =	seq.s32 s26, $0x0  }
0xda: {  	s30 =	sadd.s32 $0x1000, s30;
	s4 =	simm.s32 @!p1 $0x400;
	s10 =	simm.s32 @!p1 $0x800  }
0xdb: {  	[sflag:s8] =	ssyncset.done @!p1 $0x0  }
0xdc: {  	p2 =	sgt.u32 s31, $0x9C3;
	[sflag:s8] =	ssyncadd.s32 @!p1 $0xFFFFC000  }
0xdd: {  	[hbm4b:s5+s4] =	stream.strided.scatter @!p1 [tilespmem:s13], [sflag:$0x6], $0x4000, s10, s4, $0x38;
	[tilespmem:$0x10400] =	vst v63  }
0xde: {  	s2 =	simm.s32 @!p1 $0xC400;
	s3 =	sadd.s32 @!p2 $0xFFFFF400, s30  }
0xdf: {  	[hbm4b:s7+s4] =	stream.strided.scatter @!p1 [tilespmem:s2], [sflag:$0x6], $0x4000, s10, s4, $0x38;
	[tilespmem:$0x10400] =	vst v63  }
0xe0: {  	s5 =	simm.s32 @!p4 $0x6;
	s2 =	simm.s32 @!p2 $0x200;
	s4 =	simm.s32 @!p2 $0x0  }
0xe1: {  	[tilespmem:s2], [sflag:$0x9] =	stream.linear.gather @!p2 [hbm4b:s3+s4], $0x100, $0x38;
	[tilespmem:$0x10400] =	vst v63  }
0xe2: {  	_ =	swait.ge @!p4 [sflag:s5], $0x4000  }
0xe3: {  	[sflag:s5] =	ssyncset.done @!p4 $0x0  }
0xe4: {  	[sflag:s5] =	ssyncadd.s32 @!p4 $0xFFFFC000  }
0xe5: {  	_ =	swait.ge @!p4 [sflag:s5], $0x4000  }
0xe6: {  	[sflag:s5] =	ssyncset.done @!p4 $0x0  }
0xe7: {  	[sflag:s5] =	ssyncadd.s32 @!p4 $0xFFFFC000  }
0xe8: {  	_ =	swait.ge [sflag:s17], $0x100  }
0xe9: {  	[sflag:s17] =	ssyncset.done $0x0  }
0xea: {  	s8 =	simm.s32 $0x100;
	[sflag:s17] =	ssyncadd.s32 $0xFFFFFF00  }
0xeb: {  	[tilespmem:s18], [sflag:$0x2] =	stream.indirect.gather [hbm4b:s1+s14], $0x80, s8, s14, $0xb8;
	[tilespmem:$0x10400] =	vst v63  }
0xec: {  	s7 =	rddreg [dreg:$0x4]  }
0xed: {  	[tilespmem:s19], [sflag:$0x4] =	stream.indirect.gather [hbm4b:s1+s14], $0x80, s7, s14, $0xb8;
	[tilespmem:$0x10400] =	vst v63  }
0xee: {  	_ =	swait.ge [sflag:s20], $0x4000  }
0xef: {  	[sflag:s20] =	ssyncset.done $0x0  }
0xf0: {  	[sflag:s20] =	ssyncadd.s32 $0xFFFFC000  }
0xf1: {  	_ =	swait.ge [sflag:s21], $0x4000  }
0xf2: {  	[sflag:s21] =	ssyncset.done $0x0  }
0xf3: {  	s10 =	sadd.s32 s26, s11;
	[sflag:s21] =	ssyncadd.s32 $0xFFFFC000  }
0xf4: {  	[hbm4b:s10+s15] =	stream.strided.scatter [tilespmem:s15], [sflag:$0x5], $0x4000, s22, s15, $0x38;
	[tilespmem:$0x10400] =	vst v63  }
0xf5: {  	p0 =	sgt.u32 s28, $0x9C3;
	s12 =	sadd.s32 $0x80, s10  }
0xf6: {  	[hbm4b:s12+s15] =	stream.strided.scatter [tilespmem:s16], [sflag:$0x5], $0x4000, s22, s15, $0x38;
	[tilespmem:$0x10400] =	vst v63  }
0xf7: {  	s3 =	sadd.s32 @!p0 $0xFFFFF800, s30;
	s4 =	simm.s32 @!p0 $0x300;
	s5 =	simm.s32 @!p0 $0x0  }
0xf8: {  	[tilespmem:s4], [sflag:$0xA] =	stream.linear.gather @!p0 [hbm4b:s3+s5], $0x100, $0x38;
	[tilespmem:$0x10400] =	vst v63  }
0xf9: {  	_ =	swait.ge [sflag:s9], $0x4000  }
0xfa: {  	[sflag:s9] =	ssyncset.done $0x0  }
0xfb: {  	[sflag:s9] =	ssyncadd.s32 $0xFFFFC000  }
0xfc: {  	_ =	swait.ge [sflag:s9], $0x4000  }
0xfd: {  	p1 =	sgt.u32 s0, $0x9A3;
	[sflag:s9] =	ssyncset.done $0x0  }
0xfe: {  	s0 =	simm.s32 @!p1 $0x9;
	[sflag:s9] =	ssyncadd.s32 $0xFFFFC000  }
0xff: {  	_ =	swait.ge @!p1 [sflag:s0], $0x100  }
0x100: {  	s3 =	simm.s32 @!p1 $0x400;
	[sflag:s0] =	ssyncset.done @!p1 $0x0  }
0x101: {  	s4 =	simm.s32 @!p1 $0x80;
	[sflag:s0] =	ssyncadd.s32 @!p1 $0xFFFFFF00;
	s0 =	simm.s32 @!p1 $0x200  }
0x102: {  	[tilespmem:s3], [sflag:$0x1] =	stream.indirect.gather @!p1 [hbm4b:s1+s4], $0x80, s0, s4, $0xb8;
	[tilespmem:$0x10400] =	vst v63  }
0x103: {  	s0 =	simm.s32 @!p1 $0x280;
	s3 =	simm.s32 @!p1 $0x8400  }
0x104: {  	[tilespmem:s3], [sflag:$0x3] =	stream.indirect.gather @!p1 [hbm4b:s1+s4], $0x80, s0, s4, $0xb8;
	[tilespmem:$0x10400] =	vst v63  }
0x105: {  	_ =	swait.ge [sflag:s23], $0x4000  }
0x106: {  	[sflag:s23] =	ssyncset.done $0x0  }
0x107: {  	[sflag:s23] =	ssyncadd.s32 $0xFFFFC000  }
0x108: {  	_ =	swait.ge [sflag:s24], $0x4000  }
0x109: {  	[sflag:s24] =	ssyncset.done $0x0  }
0x10a: {  	s13 =	sadd.s32 $0x20000, s10;
	p1 =	sgt.u32 @!p2 s29, $0x943;
	[sflag:s24] =	ssyncadd.s32 $0xFFFFC000  }
0x10b: {  	[hbm4b:s13+s15] =	stream.strided.scatter [tilespmem:s18], [sflag:$0x6], $0x4000, s22, s15, $0x38;
	[tilespmem:$0x10400] =	vst v63  }
0x10c: {  	s25 =	sadd.s32 $0x20080, s10;
	p1 =	por p1, p2  }
0x10d: {  	[hbm4b:s25+s15] =	stream.strided.scatter [tilespmem:s19], [sflag:$0x6], $0x4000, s22, s15, $0x38;
	[tilespmem:$0x10400] =	vst v63  }
0x10e: {  	s3 =	simm.s32 @!p2 $0x6;
	s0 =	sadd.s32 @!p1 $0xFFFFFC00, s30;
	s2 =	simm.s32 @!p1 $0x0  }
0x10f: {  	[tilespmem:s2], [sflag:$0x7] =	stream.linear.gather @!p1 [hbm4b:s0+s2], $0x100, $0x38;
	[tilespmem:$0x10400] =	vst v63  }
0x110: {  	_ =	swait.ge @!p2 [sflag:s3], $0x4000  }
0x111: {  	[sflag:s3] =	ssyncset.done @!p2 $0x0  }
0x112: {  	[sflag:s3] =	ssyncadd.s32 @!p2 $0xFFFFC000  }
0x113: {  	p1 =	sgt.u32 @!p2 s31, $0x9A3;
	_ =	swait.ge @!p2 [sflag:s3], $0x4000  }
0x114: {  	p1 =	por p1, p2;
	[sflag:s3] =	ssyncset.done @!p2 $0x0  }
0x115: {  	s0 =	simm.s32 @!p1 $0xA;
	[sflag:s3] =	ssyncadd.s32 @!p2 $0xFFFFC000  }
0x116: {  	_ =	swait.ge @!p1 [sflag:s0], $0x100  }
0x117: {  	s2 =	simm.s32 @!p1 $0x4400;
	[sflag:s0] =	ssyncset.done @!p1 $0x0  }
0x118: {  	s4 =	simm.s32 @!p1 $0x300;
	s3 =	simm.s32 @!p1 $0x80;
	[sflag:s0] =	ssyncadd.s32 @!p1 $0xFFFFFF00  }
0x119: {  	[tilespmem:s2], [sflag:$0x2] =	stream.indirect.gather @!p1 [hbm4b:s1+s3], $0x80, s4, s3, $0xb8;
	[tilespmem:$0x10400] =	vst v63  }
0x11a: {  	s0 =	simm.s32 @!p1 $0x380;
	s2 =	simm.s32 @!p1 $0xC400;
	s4 =	simm.s32 @!p2 $0x1  }
0x11b: {  	[tilespmem:s2], [sflag:$0x4] =	stream.indirect.gather @!p1 [hbm4b:s1+s3], $0x80, s0, s3, $0xb8;
	[tilespmem:$0x10400] =	vst v63  }
0x11c: {  	_ =	swait.ge @!p2 [sflag:s4], $0x4000  }
0x11d: {  	[sflag:s4] =	ssyncset.done @!p2 $0x0  }
0x11e: {  	s0 =	simm.s32 @!p2 $0x3;
	[sflag:s4] =	ssyncadd.s32 @!p2 $0xFFFFC000  }
0x11f: {  	s2 =	simm.s32 @!p2 $0x800;
	_ =	swait.ge @!p2 [sflag:s0], $0x4000  }
0x120: {  	s3 =	sadd.s32 @!p2 s26, s11;
	p1 =	sgt.u32 @!p0 s29, $0x923;
	[sflag:s0] =	ssyncset.done @!p2 $0x0  }
0x121: {  	s4 =	simm.s32 @!p2 $0x400;
	[sflag:s0] =	ssyncadd.s32 @!p2 $0xFFFFC000;
	s0 =	sadd.s32 @!p2 $0x40000, s3  }
0x122: {  	[hbm4b:s0+s4] =	stream.strided.scatter @!p2 [tilespmem:s4], [sflag:$0x5], $0x4000, s2, s4, $0x38;
	[tilespmem:$0x10400] =	vst v63  }
0x123: {  	p1 =	por p1, p0;
	s3 =	sadd.s32 @!p2 $0x40080, s3;
	s0 =	simm.s32 @!p2 $0x8400  }
0x124: {  	[hbm4b:s3+s4] =	stream.strided.scatter @!p2 [tilespmem:s0], [sflag:$0x5], $0x4000, s2, s4, $0x38;
	[tilespmem:$0x10400] =	vst v63  }
0x125: {  	s0 =	simm.s32 @!p1 $0x0;
	s2 =	simm.s32 @!p1 $0x100  }
0x126: {  	[tilespmem:s2], [sflag:$0x8] =	stream.linear.gather @!p1 [hbm4b:s30+s0], $0x100, $0x38;
	[tilespmem:$0x10400] =	vst v63  }
0x127: {  	s0 =	simm.s32 @!p0 $0x5  }
0x128: {  	_ =	swait.ge @!p0 [sflag:s0], $0x4000  }
0x129: {  	[sflag:s0] =	ssyncset.done @!p0 $0x0  }
0x12a: {  	[sflag:s0] =	ssyncadd.s32 @!p0 $0xFFFFC000  }
0x12b: {  	p1 =	sgt.u32 @!p0 s28, $0x9A3;
	_ =	swait.ge @!p0 [sflag:s0], $0x4000  }
0x12c: {  	p1 =	por p1, p0;
	[sflag:s0] =	ssyncset.done @!p0 $0x0  }
0x12d: {  	s2 =	simm.s32 @!p1 $0x7;
	[sflag:s0] =	ssyncadd.s32 @!p0 $0xFFFFC000  }
0x12e: {  	_ =	swait.ge @!p1 [sflag:s2], $0x100  }
0x12f: {  	s3 =	simm.s32 @!p1 $0x80;
	[sflag:s2] =	ssyncset.done @!p1 $0x0  }
0x130: {  	s4 =	simm.s32 @!p1 $0x0;
	s0 =	simm.s32 @!p1 $0x400;
	[sflag:s2] =	ssyncadd.s32 @!p1 $0xFFFFFF00  }
0x131: {  	[tilespmem:s0], [sflag:$0x1] =	stream.indirect.gather @!p1 [hbm4b:s1+s3], $0x80, s4, s3, $0xb8;
	[tilespmem:$0x10400] =	vst v63  }
0x132: {  	s2 =	simm.s32 @!p0 $0x2;
	s0 =	simm.s32 @!p1 $0x8400  }
0x133: {  	[tilespmem:s0], [sflag:$0x3] =	stream.indirect.gather @!p1 [hbm4b:s1+s3], $0x80, s3, s3, $0xb8;
	[tilespmem:$0x10400] =	vst v63  }
0x134: {  	_ =	swait.ge @!p0 [sflag:s2], $0x4000  }
0x135: {  	[sflag:s2] =	ssyncset.done @!p0 $0x0  }
0x136: {  	s0 =	simm.s32 @!p0 $0x4;
	[sflag:s2] =	ssyncadd.s32 @!p0 $0xFFFFC000  }
0x137: {  	s5 =	simm.s32 @!p0 $0x400;
	_ =	swait.ge @!p0 [sflag:s0], $0x4000  }
0x138: {  	s4 =	simm.s32 @!p0 $0x4400;
	s2 =	sadd.s32 @!p0 s26, s11;
	[sflag:s0] =	ssyncset.done @!p0 $0x0  }
0x139: {  	s3 =	sadd.s32 @!p0 $0x60000, s2;
	[sflag:s0] =	ssyncadd.s32 @!p0 $0xFFFFC000;
	s0 =	simm.s32 @!p0 $0x800  }
0x13a: {  	[hbm4b:s3+s5] =	stream.strided.scatter @!p0 [tilespmem:s4], [sflag:$0x6], $0x4000, s0, s5, $0x38;
	[tilespmem:$0x10400] =	vst v63  }
0x13b: {  	s2 =	sadd.s32 @!p0 $0x60080, s2;
	s29 =	rddreg [dreg:$0x9];
	s3 =	simm.s32 @!p0 $0xC400  }
0x13c: {  	[hbm4b:s2+s5] =	stream.strided.scatter @!p0 [tilespmem:s3], [sflag:$0x6], $0x4000, s0, s5, $0x38;
	[tilespmem:$0x10400] =	vst v63  }
0x13d: {  	_ =	swait.ge [sflag:s29], $0x4000  }
0x13e: {  	[sflag:s29] =	ssyncset.done $0x0  }
0x13f: {  	[sflag:s29] =	ssyncadd.s32 $0xFFFFC000  }
0x140: {  	_ =	swait.ge [sflag:s29], $0x4000  }
0x141: {  	s30 =	rddreg [dreg:$0xb]  }
0x142: {  	s31 =	rddreg [dreg:$0x8];
	s3 =	sadd.s32 $0x1, s30  }
0x143: {  	p0 =	sne.s32 s3, s31  }
.Ltmp1:
0x144: {  	_ = 	snop;
	(pc) =	sbr.rel @p0 .LBB2_1-.Ltmp1, $3  }
0x145: {  	_ =	sdelay $0x1  }
0x146: {  	[sflag:s29] =	ssyncset.done $0x0  }
0x147: {  	[sflag:s29] =	ssyncadd.s32 $0xFFFFC000  }
0x148: {  	_ =	sfence.sel $0x180000  }
0x149: {  	[bflag:$0x0] =	sbarrier.arrive $0xFFFF  }
0x14a: {  	_ =	strace $0x90000047  }
0x14b: {  	s0 =	stileid.u32;
	[bflag:$0x2] =	sbarrier.arrive $0xFFFF  }
0x14c: {  	p0 =	sne.s32 s0, $0x0;
	s0 =	rddreg [dreg:$0x3]  }
0x14d: {  	s0 =	sadd.s32 @!p0 $0x100000, s0  }
0x14e: {  	[sflag:s0] =	ssyncadd.tile.s32 @!p0 $0x1;
	_ =	shalt  }
.Lfunc_end2:
_tile_overlayer_lowered:
.L_overlay_start_2:
0x14f: {  	(tag) =	ssettag $0x2  }
0x150: {  	s0 =	rddreg [dreg:$0x0];
	s2 =	stileid.u32  }
0x151: {  	s1 =	rddreg [dreg:$0x1];
	p0 =	sne.s32 s2, $0x0  }
0x152: {  	s3 =	rddreg [dreg:$0x2];
	[bflag:$0x3] =	sbarrier.arrive $0xFFFF;
	s2 =	simm.s32 @!p0 $0x1C0B  }
0x153: {  	[timem:s3], [sflag:s2] =	dma.local @!p0 [hbm:s0], s1  }
0x154: {  	s0 =	simm.s32 @!p0 $0xB  }
0x155: {  	_ =	swait.ge @!p0 [sflag:s0], s1  }
0x156: {  	s1 =	ssub.s32 @!p0 $0x0, s1;
	[sflag:s0] =	ssyncset.done @!p0 $0x0  }
0x157: {  	[sflag:s0] =	ssyncadd.s32 @!p0 s1  }
0x158: {  	[bflag:$0x3] =	sbarrier.arrive $0xFFFF  }
0x159: {  	_ =	shalt  }

</sc_bundles>
